<compile_context>
chip_gen: v7x
topology: tpu7x:2x2x1
jax: 0.10.2.dev20260603
libtpu: 0.0.44.dev20260713+nightly
codegen_flags: <defaults>
</compile_context>

<pallas_src>
import functools

import jax
import jax.numpy as jnp
from jax import lax
from jax.experimental import pallas as pl
from jax.experimental.pallas import tpu as pltpu
from jax.experimental.pallas import tpu_sc as plsc

N = 10000
E = 320000
D = 128
H = 128
DE = 16

NW = 32
CH = 79
EPAD = NW * CH * 128
NPAD = 10112
ROWS_PT = NPAD // 16

_EBS = 2560



def _sc_segment(P_pad, src3, dst3, zeros_tile, with_cnt):
    mesh = plsc.VectorSubcoreMesh(core_axis_name="c", subcore_axis_name="s")
    out_type = [jax.ShapeDtypeStruct((2, NPAD, H), jnp.float32)]
    if with_cnt:
        out_type.append(jax.ShapeDtypeStruct((2, NPAD, H), jnp.float32))

    @functools.partial(
        pl.kernel,
        out_type=tuple(out_type) if with_cnt else out_type[0],
        mesh=mesh,
        scratch_types=[
            pltpu.VMEM((CH, 128), jnp.int32),
            pltpu.VMEM((CH, 128), jnp.int32),
            pltpu.VMEM((128, H), jnp.float32),
            pltpu.VMEM_SHARED((NPAD, H), jnp.float32),
        ],
    )
    def seg_kernel(p_hbm, src_hbm, dst_hbm, z_hbm, ones_hbm, *rest):
        no = 2 if with_cnt else 1
        outs = rest[:no]
        src_v, dst_v, buf, acc = rest[no:]
        c = lax.axis_index("c")
        s = lax.axis_index("s")
        wid = s * 2 + c
        pltpu.sync_copy(z_hbm, acc.at[pl.ds(s * ROWS_PT, ROWS_PT)])
        pltpu.sync_copy(src_hbm.at[wid], src_v)
        pltpu.sync_copy(dst_hbm.at[wid], dst_v)
        plsc.subcore_barrier()

        def body(j, carry):
            pltpu.sync_copy(p_hbm.at[src_v.at[j]], buf)
            pltpu.sync_copy(buf, acc.at[dst_v.at[j]], add=True)
            return carry

        lax.fori_loop(0, CH, body, 0)
        plsc.subcore_barrier()
        pltpu.sync_copy(acc.at[pl.ds(s * ROWS_PT, ROWS_PT)],
                        outs[0].at[c, pl.ds(s * ROWS_PT, ROWS_PT)])
        if with_cnt:
            plsc.subcore_barrier()
            pltpu.sync_copy(z_hbm, acc.at[pl.ds(s * ROWS_PT, ROWS_PT)])
            pltpu.sync_copy(ones_hbm, buf)
            plsc.subcore_barrier()

            def cnt_body(j, carry):
                pltpu.sync_copy(buf, acc.at[dst_v.at[j]], add=True)
                return carry

            lax.fori_loop(0, CH, cnt_body, 0)
            plsc.subcore_barrier()
            pltpu.sync_copy(acc.at[pl.ds(s * ROWS_PT, ROWS_PT)],
                            outs[1].at[c, pl.ds(s * ROWS_PT, ROWS_PT)])

    ones128 = jnp.ones((128, H), jnp.float32)
    return seg_kernel(P_pad, src3, dst3, zeros_tile, ones128)


def _sc_gather2(A_pad, B_pad, src3, dst3):
    mesh = plsc.VectorSubcoreMesh(core_axis_name="c", subcore_axis_name="s")

    @functools.partial(
        pl.kernel,
        out_type=(jax.ShapeDtypeStruct((EPAD, H), jnp.float32),
                  jax.ShapeDtypeStruct((EPAD, H), jnp.float32)),
        mesh=mesh,
        scratch_types=[
            pltpu.VMEM((CH, 128), jnp.int32),
            pltpu.VMEM((CH, 128), jnp.int32),
            pltpu.VMEM((128, H), jnp.float32),
            pltpu.VMEM((128, H), jnp.float32),
        ],
    )
    def gather_kernel(a_hbm, b_hbm, src_hbm, dst_hbm, g1_hbm, g2_hbm,
                      src_v, dst_v, buf_a, buf_b):
        c = lax.axis_index("c")
        s = lax.axis_index("s")
        wid = s * 2 + c
        base = wid * (CH * 128)
        pltpu.sync_copy(src_hbm.at[wid], src_v)
        pltpu.sync_copy(dst_hbm.at[wid], dst_v)

        def body(j, carry):
            pltpu.sync_copy(a_hbm.at[src_v.at[j]], buf_a)
            pltpu.sync_copy(buf_a, g1_hbm.at[pl.ds(base + j * 128, 128)])
            pltpu.sync_copy(b_hbm.at[dst_v.at[j]], buf_b)
            pltpu.sync_copy(buf_b, g2_hbm.at[pl.ds(base + j * 128, 128)])
            return carry

        lax.fori_loop(0, CH, body, 0)

    return gather_kernel(A_pad, B_pad, src3, dst3)



def _tc_pre_body(x_ref, wl0t_ref, wr0t_ref, bl0_ref, p0_ref, q0_ref):
    xv = x_ref[...]
    p0_ref[...] = jnp.dot(xv, wl0t_ref[...], preferred_element_type=jnp.float32)
    q0_ref[...] = jnp.dot(xv, wr0t_ref[...],
                          preferred_element_type=jnp.float32) + bl0_ref[...]


def _tc_pre(x, Wl0, Wr0, bl0):
    return pl.pallas_call(
        _tc_pre_body,
        out_shape=(jax.ShapeDtypeStruct((N, H), jnp.float32),
                   jax.ShapeDtypeStruct((N, H), jnp.float32)),
    )(x, Wl0.T, Wr0.T, bl0[None, :])


def _ln_relu(o, g, be):
    mu = jnp.mean(o, axis=-1, keepdims=True)
    var = jnp.mean((o - mu) ** 2, axis=-1, keepdims=True)
    return jnp.maximum((o - mu) * lax.rsqrt(var + 1e-5) * g + be, 0.0)


def _tc_mid_body(sa_ref, sb_ref, ca_ref, cb_ref, q0_ref, g0_ref, be0_ref,
                 wl1t_ref, wr1t_ref, bl1_ref, p1_ref, q1_ref, inv_ref):
    seg = sa_ref[...][:N, :] + sb_ref[...][:N, :]
    cnt = ca_ref[...][:N, :1] + cb_ref[...][:N, :1]
    inv = 1.0 / jnp.maximum(cnt, 1.0)
    h1 = _ln_relu(seg * inv + q0_ref[...], g0_ref[...], be0_ref[...])
    p1_ref[...] = jnp.dot(h1, wl1t_ref[...], preferred_element_type=jnp.float32)
    q1_ref[...] = jnp.dot(h1, wr1t_ref[...],
                          preferred_element_type=jnp.float32) + bl1_ref[...]
    inv_ref[...] = inv


def _tc_mid(S0, C0, Q0, g0, be0, Wl1, Wr1, bl1):
    return pl.pallas_call(
        _tc_mid_body,
        out_shape=(jax.ShapeDtypeStruct((N, H), jnp.float32),
                   jax.ShapeDtypeStruct((N, H), jnp.float32),
                   jax.ShapeDtypeStruct((N, 1), jnp.float32)),
    )(S0[0], S0[1], C0[0], C0[1], Q0, g0[None, :], be0[None, :], Wl1.T, Wr1.T,
      bl1[None, :])


def _tc_fin_body(sa_ref, sb_ref, q1_ref, inv_ref, g1_ref, be1_ref, w1at_ref,
                 w1bt_ref, b1_ref, a_ref, b_ref):
    seg = sa_ref[...][:N, :] + sb_ref[...][:N, :]
    h2 = _ln_relu(seg * inv_ref[...] + q1_ref[...], g1_ref[...], be1_ref[...])
    a_ref[...] = jnp.dot(h2, w1at_ref[...], preferred_element_type=jnp.float32)
    b_ref[...] = jnp.dot(h2, w1bt_ref[...],
                         preferred_element_type=jnp.float32) + b1_ref[...]


def _tc_fin(S1, Q1, inv, g1, be1, W1a, W1b, b1):
    return pl.pallas_call(
        _tc_fin_body,
        out_shape=(jax.ShapeDtypeStruct((N, H), jnp.float32),
                   jax.ShapeDtypeStruct((N, H), jnp.float32)),
    )(S1[0], S1[1], Q1, inv, g1[None, :], be1[None, :], W1a.T, W1b.T,
      b1[None, :])


def _edge_mlp_body(g1_ref, g2_ref, ea_ref, w1ct_ref, w2t_ref, b2_ref, w3t_ref,
                   b3_ref, out_ref):
    z1 = g1_ref[...] + g2_ref[...] + jnp.dot(
        ea_ref[...], w1ct_ref[...], preferred_element_type=jnp.float32)
    z1 = jnp.maximum(z1, 0.0)
    z2 = jnp.dot(z1, w2t_ref[...], preferred_element_type=jnp.float32)
    z2 = jnp.maximum(z2 + b2_ref[...], 0.0)
    z3 = jnp.dot(z2, w3t_ref[...], preferred_element_type=jnp.float32)
    out_ref[...] = z3 + b3_ref[...]


def _edge_mlp(G1, G2, ea, W1c, W2, b2, W3, b3):
    nblk = E // _EBS
    out = pl.pallas_call(
        _edge_mlp_body,
        grid=(nblk,),
        in_specs=[
            pl.BlockSpec((_EBS, H), lambda i: (i, 0)),
            pl.BlockSpec((_EBS, H), lambda i: (i, 0)),
            pl.BlockSpec((_EBS, DE), lambda i: (i, 0)),
            pl.BlockSpec((DE, H), lambda i: (0, 0)),
            pl.BlockSpec((H, H // 2), lambda i: (0, 0)),
            pl.BlockSpec((1, H // 2), lambda i: (0, 0)),
            pl.BlockSpec((H // 2, 1), lambda i: (0, 0)),
            pl.BlockSpec((1, 1), lambda i: (0, 0)),
        ],
        out_specs=pl.BlockSpec((_EBS, 1), lambda i: (i, 0)),
        out_shape=jax.ShapeDtypeStruct((E, 1), jnp.float32),
    )(G1, G2, ea, W1c.T, W2.T, b2[None, :], W3.T, b3[None, :])
    return out[:, 0]



def kernel(x, edge_index, edge_attr, Wl0, bl0, Wr0, g0, be0, Wl1, bl1, Wr1,
           g1, be1, W1, b1, W2, b2, W3, b3):
    src = edge_index[0]
    dst = edge_index[1]
    pad = EPAD - E
    src3 = jnp.concatenate(
        [src, jnp.full((pad,), N, jnp.int32)]).reshape(NW, CH, 128)
    dst3 = jnp.concatenate(
        [dst, jnp.full((pad,), N, jnp.int32)]).reshape(NW, CH, 128)
    zeros_h = jnp.zeros((ROWS_PT, H), jnp.float32)

    P0, Q0 = _tc_pre(x, Wl0, Wr0, bl0)
    P0p = jnp.pad(P0, ((0, NPAD - N), (0, 0)))
    S0, C0 = _sc_segment(P0p, src3, dst3, zeros_h, True)

    P1, Q1, inv = _tc_mid(S0, C0, Q0, g0, be0, Wl1, Wr1, bl1)
    P1p = jnp.pad(P1, ((0, NPAD - N), (0, 0)))
    S1 = _sc_segment(P1p, src3, dst3, zeros_h, False)

    A, B = _tc_fin(S1, Q1, inv, g1, be1, W1[:, :H], W1[:, H:2 * H], b1)
    Ap = jnp.pad(A, ((0, NPAD - N), (0, 0)))
    Bp = jnp.pad(B, ((0, NPAD - N), (0, 0)))
    G1, G2 = _sc_gather2(Ap, Bp, src3, dst3)

    return _edge_mlp(G1, G2, edge_attr, W1[:, 2 * H:], W2, b2, W3, b3)

# --- scband reference (transcript-rebuilt; emitter-appended) ---
"""Pipeline reference for scband-edge-classifier-29910152249703 (READ-ONLY COPY).

The authoritative reference and input builder live on the scoring server;
editing this copy changes nothing except your own understanding.
"""

import jax, jax.numpy as jnp
import numpy as np

N = 10000
E = 320000
D = 128
H = 128
DE = 16

def setup_inputs(seed: int = 0):
    key = jax.random.key(seed)
    ks = jax.random.split(key, 24)
    def lin(k, out_d, in_d):
        return jax.random.normal(k, (out_d, in_d), dtype=jnp.float32) / np.sqrt(in_d)
    inp = {}
    inp["x"] = jax.random.normal(ks[0], (N, D), dtype=jnp.float32)
    inp["edge_index"] = jax.random.randint(ks[1], (2, E), 0, N, dtype=jnp.int32)
    inp["edge_attr"] = jax.random.normal(ks[2], (E, DE), dtype=jnp.float32)
    inp["Wl0"] = lin(ks[3], H, D); inp["bl0"] = jnp.zeros((H,), jnp.float32)
    inp["Wr0"] = lin(ks[4], H, D)
    inp["g0"] = jnp.ones((H,), jnp.float32); inp["be0"] = jnp.zeros((H,), jnp.float32)
    inp["Wl1"] = lin(ks[5], H, H); inp["bl1"] = jnp.zeros((H,), jnp.float32)
    inp["Wr1"] = lin(ks[6], H, H)
    inp["g1"] = jnp.ones((H,), jnp.float32); inp["be1"] = jnp.zeros((H,), jnp.float32)
    inp["W1"] = lin(ks[7], H, 2 * H + DE); inp["b1"] = jnp.zeros((H,), jnp.float32)
    inp["W2"] = lin(ks[8], H // 2, H); inp["b2"] = jnp.zeros((H // 2,), jnp.float32)
    inp["W3"] = lin(ks[9], 1, H // 2); inp["b3"] = jnp.zeros((1,), jnp.float32)
    return inp

def _sage_layer(h, src, dst, Wl, bl, Wr, g, be):
    # PyG SAGEConv (mean aggr): out = lin_l(mean_agg(x_j at dst)) + lin_r(x)
    msg = h[src]
    agg = jax.ops.segment_sum(msg, dst, num_segments=N)
    cnt = jax.ops.segment_sum(jnp.ones((E, 1), jnp.float32), dst, num_segments=N)
    agg = agg / jnp.clip(cnt, 1.0, None)
    out = agg @ Wl.T + bl + h @ Wr.T
    # LayerNorm
    mu = jnp.mean(out, axis=-1, keepdims=True)
    var = jnp.mean((out - mu) ** 2, axis=-1, keepdims=True)
    out = (out - mu) / jnp.sqrt(var + 1e-5) * g + be
    return jax.nn.relu(out)

def reference(x, edge_index, edge_attr, Wl0, bl0, Wr0, g0, be0, Wl1, bl1, Wr1, g1, be1, W1, b1, W2, b2, W3, b3):
    src = edge_index[0]
    dst = edge_index[1]
    h = _sage_layer(x, src, dst, Wl0, bl0, Wr0, g0, be0)
    h = _sage_layer(h, src, dst, Wl1, bl1, Wr1, g1, be1)
    er = jnp.concatenate([h[src], h[dst], edge_attr], axis=-1)
    z = jax.nn.relu(er @ W1.T + b1)
    z = jax.nn.relu(z @ W2.T + b2)
    z = z @ W3.T + b3
    return z.squeeze(-1)

if __name__ == "__main__":
    import jax
    _d = setup_inputs()
    print(jax.jit(kernel)(*tuple(_d.values())))

</pallas_src>

<mosaic_0001>
#map = affine_map<(d0, d1) -> (0, 0)>
#map1 = affine_map<(d0, d1) -> (0, 0, 0)>
module attributes {stable_mosaic.version = 14 : i64} {
  func.func @seg_kernel(%arg0: i32, %arg1: i32, %arg2: memref<10112x128xf32, #tpu.memory_space<hbm>>, %arg3: memref<32x79x128xi32, #tpu.memory_space<hbm>>, %arg4: memref<32x79x128xi32, #tpu.memory_space<hbm>>, %arg5: memref<632x128xf32, #tpu.memory_space<hbm>>, %arg6: memref<128x128xf32, #tpu.memory_space<hbm>>, %arg7: memref<2x10112x128xf32, #tpu.memory_space<hbm>>, %arg8: memref<79x128xi32, #tpu.memory_space<vmem>>, %arg9: memref<79x128xi32, #tpu.memory_space<vmem>>, %arg10: memref<128x128xf32, #tpu.memory_space<vmem>>, %arg11: memref<10112x128xf32, #tpu.memory_space<vmem_shared>>) attributes {dimension_semantics = [#tpu.dimension_semantics<core_parallel>, #tpu.dimension_semantics<subcore_parallel>], iteration_bounds = array<i64: 2, 16>, scalar_prefetch = 0 : i64, scratch_operands = 4 : i64, tpu.core_type = #tpu.core_type<sc_vector_subcore>, window_params = [{transform_indices = #map}, {transform_indices = #map1}, {transform_indices = #map1}, {transform_indices = #map}, {transform_indices = #map}, {transform_indices = #map1}]} {
    %mul3A = arith.constant 2 : i32
    %mul3A_0 = arith.muli %arg1, %mul3A : i32
    %add3A = arith.addi %mul3A_0, %arg0 : i32
    %mul3A_1 = arith.constant 632 : i32
    %mul3A_2 = arith.muli %arg1, %mul3A_1 : i32
    "tpu.region"() ({
      %run_scoped3A = tpu.sem_alloc : memref<!tpu.dma_semaphore, #tpu.memory_space<semaphore_mem>>
      %dma_start3A = arith.constant 0 : i32
      %dma_start3A_13 = tpu.memref_slice %arg11[%mul3A_2, %dma_start3A] : memref<10112x128xf32, #tpu.memory_space<vmem_shared>> -> memref<632x128xf32, #tpu.memory_space<vmem_shared>>
      tpu.enqueue_dma source(%arg5 : memref<632x128xf32, #tpu.memory_space<hbm>>) target(%dma_start3A_13 : memref<632x128xf32, #tpu.memory_space<vmem_shared>>) target_semaphore(%run_scoped3A : memref<!tpu.dma_semaphore, #tpu.memory_space<semaphore_mem>>)
      %dma_wait3A = arith.constant 0 : i32
      %dma_wait3A_14 = tpu.memref_slice %arg11[%mul3A_2, %dma_wait3A] : memref<10112x128xf32, #tpu.memory_space<vmem_shared>> -> memref<632x128xf32, #tpu.memory_space<vmem_shared>>
      tpu.wait_dma2 semaphore(%run_scoped3A : memref<!tpu.dma_semaphore, #tpu.memory_space<semaphore_mem>>) src(%arg5 : memref<632x128xf32, #tpu.memory_space<hbm>>) dst(%dma_wait3A_14 : memref<632x128xf32, #tpu.memory_space<vmem_shared>>)
      tpu.yield
    }) : () -> ()
    "tpu.region"() ({
      %run_scoped3A = tpu.sem_alloc : memref<!tpu.dma_semaphore, #tpu.memory_space<semaphore_mem>>
      %dma_start3A = arith.constant 0 : i32
      %dma_start3A_13 = arith.constant 0 : i32
      %dma_start3A_14 = tpu.memref_slice %arg3[%add3A, %dma_start3A, %dma_start3A_13] : memref<32x79x128xi32, #tpu.memory_space<hbm>> -> memref<1x79x128xi32, #tpu.memory_space<hbm>>
      %dma_start3A_15 = tpu.memref_squeeze %dma_start3A_14 : memref<1x79x128xi32, #tpu.memory_space<hbm>> -> memref<79x128xi32, #tpu.memory_space<hbm>>
      %dma_start3A_16 = arith.constant 0 : i32
      %dma_start3A_17 = arith.constant 0 : i32
      %dma_start3A_18 = tpu.memref_slice %arg3[%add3A, %dma_start3A_16, %dma_start3A_17] : memref<32x79x128xi32, #tpu.memory_space<hbm>> -> memref<1x79x128xi32, #tpu.memory_space<hbm>>
      %dma_start3A_19 = tpu.memref_squeeze %dma_start3A_18 : memref<1x79x128xi32, #tpu.memory_space<hbm>> -> memref<79x128xi32, #tpu.memory_space<hbm>>
      tpu.enqueue_dma source(%dma_start3A_19 : memref<79x128xi32, #tpu.memory_space<hbm>>) target(%arg8 : memref<79x128xi32, #tpu.memory_space<vmem>>) target_semaphore(%run_scoped3A : memref<!tpu.dma_semaphore, #tpu.memory_space<semaphore_mem>>)
      %dma_wait3A = arith.constant 0 : i32
      %dma_wait3A_20 = arith.constant 0 : i32
      %dma_wait3A_21 = tpu.memref_slice %arg3[%add3A, %dma_wait3A, %dma_wait3A_20] : memref<32x79x128xi32, #tpu.memory_space<hbm>> -> memref<1x79x128xi32, #tpu.memory_space<hbm>>
      %dma_wait3A_22 = tpu.memref_squeeze %dma_wait3A_21 : memref<1x79x128xi32, #tpu.memory_space<hbm>> -> memref<79x128xi32, #tpu.memory_space<hbm>>
      %dma_wait3A_23 = arith.constant 0 : i32
      %dma_wait3A_24 = arith.constant 0 : i32
      %dma_wait3A_25 = tpu.memref_slice %arg3[%add3A, %dma_wait3A_23, %dma_wait3A_24] : memref<32x79x128xi32, #tpu.memory_space<hbm>> -> memref<1x79x128xi32, #tpu.memory_space<hbm>>
      %dma_wait3A_26 = tpu.memref_squeeze %dma_wait3A_25 : memref<1x79x128xi32, #tpu.memory_space<hbm>> -> memref<79x128xi32, #tpu.memory_space<hbm>>
      tpu.wait_dma2 semaphore(%run_scoped3A : memref<!tpu.dma_semaphore, #tpu.memory_space<semaphore_mem>>) src(%dma_wait3A_26 : memref<79x128xi32, #tpu.memory_space<hbm>>) dst(%arg8 : memref<79x128xi32, #tpu.memory_space<vmem>>)
      tpu.yield
    }) : () -> ()
    "tpu.region"() ({
      %run_scoped3A = tpu.sem_alloc : memref<!tpu.dma_semaphore, #tpu.memory_space<semaphore_mem>>
      %dma_start3A = arith.constant 0 : i32
      %dma_start3A_13 = arith.constant 0 : i32
      %dma_start3A_14 = tpu.memref_slice %arg4[%add3A, %dma_start3A, %dma_start3A_13] : memref<32x79x128xi32, #tpu.memory_space<hbm>> -> memref<1x79x128xi32, #tpu.memory_space<hbm>>
      %dma_start3A_15 = tpu.memref_squeeze %dma_start3A_14 : memref<1x79x128xi32, #tpu.memory_space<hbm>> -> memref<79x128xi32, #tpu.memory_space<hbm>>
      %dma_start3A_16 = arith.constant 0 : i32
      %dma_start3A_17 = arith.constant 0 : i32
      %dma_start3A_18 = tpu.memref_slice %arg4[%add3A, %dma_start3A_16, %dma_start3A_17] : memref<32x79x128xi32, #tpu.memory_space<hbm>> -> memref<1x79x128xi32, #tpu.memory_space<hbm>>
      %dma_start3A_19 = tpu.memref_squeeze %dma_start3A_18 : memref<1x79x128xi32, #tpu.memory_space<hbm>> -> memref<79x128xi32, #tpu.memory_space<hbm>>
      tpu.enqueue_dma source(%dma_start3A_19 : memref<79x128xi32, #tpu.memory_space<hbm>>) target(%arg9 : memref<79x128xi32, #tpu.memory_space<vmem>>) target_semaphore(%run_scoped3A : memref<!tpu.dma_semaphore, #tpu.memory_space<semaphore_mem>>)
      %dma_wait3A = arith.constant 0 : i32
      %dma_wait3A_20 = arith.constant 0 : i32
      %dma_wait3A_21 = tpu.memref_slice %arg4[%add3A, %dma_wait3A, %dma_wait3A_20] : memref<32x79x128xi32, #tpu.memory_space<hbm>> -> memref<1x79x128xi32, #tpu.memory_space<hbm>>
      %dma_wait3A_22 = tpu.memref_squeeze %dma_wait3A_21 : memref<1x79x128xi32, #tpu.memory_space<hbm>> -> memref<79x128xi32, #tpu.memory_space<hbm>>
      %dma_wait3A_23 = arith.constant 0 : i32
      %dma_wait3A_24 = arith.constant 0 : i32
      %dma_wait3A_25 = tpu.memref_slice %arg4[%add3A, %dma_wait3A_23, %dma_wait3A_24] : memref<32x79x128xi32, #tpu.memory_space<hbm>> -> memref<1x79x128xi32, #tpu.memory_space<hbm>>
      %dma_wait3A_26 = tpu.memref_squeeze %dma_wait3A_25 : memref<1x79x128xi32, #tpu.memory_space<hbm>> -> memref<79x128xi32, #tpu.memory_space<hbm>>
      tpu.wait_dma2 semaphore(%run_scoped3A : memref<!tpu.dma_semaphore, #tpu.memory_space<semaphore_mem>>) src(%dma_wait3A_26 : memref<79x128xi32, #tpu.memory_space<hbm>>) dst(%arg9 : memref<79x128xi32, #tpu.memory_space<vmem>>)
      tpu.yield
    }) : () -> ()
    %barrier3A = arith.constant 0 : index
    tpu.barrier barrier_id(%barrier3A)
    %scan3A = arith.constant 0 : i32
    %scan3A_3 = arith.constant 0 : i32
    %scan3A_4 = arith.constant 79 : i32
    %scan3A_5 = arith.addi %scan3A_3, %scan3A_4 : i32
    %scan3A_6 = arith.constant 1 : i32
    scf.for %scan3A_13 = %scan3A_3 to %scan3A_5 step %scan3A_6  : i32 {
      "tpu.region"() ({
        %run_scoped3A = tpu.sem_alloc : memref<!tpu.dma_semaphore, #tpu.memory_space<semaphore_mem>>
        %dma_start3A = arith.constant 0 : i32
        %dma_start3A_14 = tpu.memref_slice %arg8[%scan3A_13, %dma_start3A] : memref<79x128xi32, #tpu.memory_space<vmem>> -> memref<1x128xi32, #tpu.memory_space<vmem>>
        %dma_start3A_15 = tpu.memref_squeeze %dma_start3A_14 : memref<1x128xi32, #tpu.memory_space<vmem>> -> memref<128xi32, #tpu.memory_space<vmem>>
        %dma_start3A_16 = arith.constant 0 : i32
        %dma_start3A_17 = arith.constant 0 : i32
        %dma_start3A_18 = tpu.memref_slice %arg2[%dma_start3A_16, %dma_start3A_17] : memref<10112x128xf32, #tpu.memory_space<hbm>> -> memref<10112x128xf32, #tpu.memory_space<hbm>>
        tpu.enqueue_indirect_dma source(%dma_start3A_18 : memref<10112x128xf32, #tpu.memory_space<hbm>>) target(%arg10 : memref<128x128xf32, #tpu.memory_space<vmem>>) offsets(%dma_start3A_15 : memref<128xi32, #tpu.memory_space<vmem>>) semaphore(%run_scoped3A : memref<!tpu.dma_semaphore, #tpu.memory_space<semaphore_mem>>)
        %dma_wait3A = arith.constant 0 : i32
        %dma_wait3A_19 = tpu.memref_slice %arg8[%scan3A_13, %dma_wait3A] : memref<79x128xi32, #tpu.memory_space<vmem>> -> memref<1x128xi32, #tpu.memory_space<vmem>>
        %dma_wait3A_20 = tpu.memref_squeeze %dma_wait3A_19 : memref<1x128xi32, #tpu.memory_space<vmem>> -> memref<128xi32, #tpu.memory_space<vmem>>
        %dma_wait3A_21 = arith.constant 0 : i32
        %dma_wait3A_22 = arith.constant 0 : i32
        %dma_wait3A_23 = tpu.memref_slice %arg2[%dma_wait3A_21, %dma_wait3A_22] : memref<10112x128xf32, #tpu.memory_space<hbm>> -> memref<10112x128xf32, #tpu.memory_space<hbm>>
        tpu.wait_indirect_dma semaphore(%run_scoped3A : memref<!tpu.dma_semaphore, #tpu.memory_space<semaphore_mem>>) src(%dma_wait3A_23 : memref<10112x128xf32, #tpu.memory_space<hbm>>) dst(%arg10 : memref<128x128xf32, #tpu.memory_space<vmem>>)
        tpu.yield
      }) : () -> ()
      "tpu.region"() ({
        %run_scoped3A = tpu.sem_alloc : memref<!tpu.dma_semaphore, #tpu.memory_space<semaphore_mem>>
        %dma_start3A = arith.constant 0 : i32
        %dma_start3A_14 = tpu.memref_slice %arg9[%scan3A_13, %dma_start3A] : memref<79x128xi32, #tpu.memory_space<vmem>> -> memref<1x128xi32, #tpu.memory_space<vmem>>
        %dma_start3A_15 = tpu.memref_squeeze %dma_start3A_14 : memref<1x128xi32, #tpu.memory_space<vmem>> -> memref<128xi32, #tpu.memory_space<vmem>>
        %dma_start3A_16 = arith.constant 0 : i32
        %dma_start3A_17 = arith.constant 0 : i32
        %dma_start3A_18 = tpu.memref_slice %arg11[%dma_start3A_16, %dma_start3A_17] : memref<10112x128xf32, #tpu.memory_space<vmem_shared>> -> memref<10112x128xf32, #tpu.memory_space<vmem_shared>>
        tpu.enqueue_indirect_dma source(%arg10 : memref<128x128xf32, #tpu.memory_space<vmem>>) target(%dma_start3A_18 : memref<10112x128xf32, #tpu.memory_space<vmem_shared>>) offsets(%dma_start3A_15 : memref<128xi32, #tpu.memory_space<vmem>>) semaphore(%run_scoped3A : memref<!tpu.dma_semaphore, #tpu.memory_space<semaphore_mem>>) {add = true}
        %dma_wait3A = arith.constant 0 : i32
        %dma_wait3A_19 = tpu.memref_slice %arg9[%scan3A_13, %dma_wait3A] : memref<79x128xi32, #tpu.memory_space<vmem>> -> memref<1x128xi32, #tpu.memory_space<vmem>>
        %dma_wait3A_20 = tpu.memref_squeeze %dma_wait3A_19 : memref<1x128xi32, #tpu.memory_space<vmem>> -> memref<128xi32, #tpu.memory_space<vmem>>
        %dma_wait3A_21 = arith.constant 0 : i32
        %dma_wait3A_22 = arith.constant 0 : i32
        %dma_wait3A_23 = tpu.memref_slice %arg11[%dma_wait3A_21, %dma_wait3A_22] : memref<10112x128xf32, #tpu.memory_space<vmem_shared>> -> memref<10112x128xf32, #tpu.memory_space<vmem_shared>>
        tpu.wait_indirect_dma semaphore(%run_scoped3A : memref<!tpu.dma_semaphore, #tpu.memory_space<semaphore_mem>>) src(%arg10 : memref<128x128xf32, #tpu.memory_space<vmem>>) dst(%dma_wait3A_23 : memref<10112x128xf32, #tpu.memory_space<vmem_shared>>)
        tpu.yield
      }) : () -> ()
    }
    %scan3A_7 = arith.constant 79 : i32
    %barrier3A_8 = arith.constant 0 : index
    tpu.barrier barrier_id(%barrier3A_8)
    %mul3A_9 = arith.constant 632 : i32
    %mul3A_10 = arith.muli %arg1, %mul3A_9 : i32
    %mul3A_11 = arith.constant 632 : i32
    %mul3A_12 = arith.muli %arg1, %mul3A_11 : i32
    "tpu.region"() ({
      %run_scoped3A = tpu.sem_alloc : memref<!tpu.dma_semaphore, #tpu.memory_space<semaphore_mem>>
      %dma_start3A = arith.constant 0 : i32
      %dma_start3A_13 = tpu.memref_slice %arg7[%arg0, %mul3A_12, %dma_start3A] : memref<2x10112x128xf32, #tpu.memory_space<hbm>> -> memref<1x632x128xf32, #tpu.memory_space<hbm>>
      %dma_start3A_14 = tpu.memref_squeeze %dma_start3A_13 : memref<1x632x128xf32, #tpu.memory_space<hbm>> -> memref<632x128xf32, #tpu.memory_space<hbm>>
      %dma_start3A_15 = arith.constant 0 : i32
      %dma_start3A_16 = tpu.memref_slice %arg11[%mul3A_10, %dma_start3A_15] : memref<10112x128xf32, #tpu.memory_space<vmem_shared>> -> memref<632x128xf32, #tpu.memory_space<vmem_shared>>
      tpu.enqueue_dma source(%dma_start3A_16 : memref<632x128xf32, #tpu.memory_space<vmem_shared>>) target(%dma_start3A_14 : memref<632x128xf32, #tpu.memory_space<hbm>>) target_semaphore(%run_scoped3A : memref<!tpu.dma_semaphore, #tpu.memory_space<semaphore_mem>>)
      %dma_wait3A = arith.constant 0 : i32
      %dma_wait3A_17 = tpu.memref_slice %arg7[%arg0, %mul3A_12, %dma_wait3A] : memref<2x10112x128xf32, #tpu.memory_space<hbm>> -> memref<1x632x128xf32, #tpu.memory_space<hbm>>
      %dma_wait3A_18 = tpu.memref_squeeze %dma_wait3A_17 : memref<1x632x128xf32, #tpu.memory_space<hbm>> -> memref<632x128xf32, #tpu.memory_space<hbm>>
      %dma_wait3A_19 = arith.constant 0 : i32
      %dma_wait3A_20 = tpu.memref_slice %arg11[%mul3A_10, %dma_wait3A_19] : memref<10112x128xf32, #tpu.memory_space<vmem_shared>> -> memref<632x128xf32, #tpu.memory_space<vmem_shared>>
      tpu.wait_dma2 semaphore(%run_scoped3A : memref<!tpu.dma_semaphore, #tpu.memory_space<semaphore_mem>>) src(%dma_wait3A_20 : memref<632x128xf32, #tpu.memory_space<vmem_shared>>) dst(%dma_wait3A_18 : memref<632x128xf32, #tpu.memory_space<hbm>>)
      tpu.yield
    }) : () -> ()
    return
  }
}

#map = affine_map<(d0, d1) -> (0, 0)>
#map1 = affine_map<(d0, d1) -> (0, 0, 0)>
module attributes {stable_mosaic.version = 14 : i64} {
  func.func @seg_kernel(%arg0: i32, %arg1: i32, %arg2: memref<10112x128xf32, #tpu.memory_space<hbm>>, %arg3: memref<32x79x128xi32, #tpu.memory_space<hbm>>, %arg4: memref<32x79x128xi32, #tpu.memory_space<hbm>>, %arg5: memref<632x128xf32, #tpu.memory_space<hbm>>, %arg6: memref<128x128xf32, #tpu.memory_space<hbm>>, %arg7: memref<2x10112x128xf32, #tpu.memory_space<hbm>>, %arg8: memref<2x10112x128xf32, #tpu.memory_space<hbm>>, %arg9: memref<79x128xi32, #tpu.memory_space<vmem>>, %arg10: memref<79x128xi32, #tpu.memory_space<vmem>>, %arg11: memref<128x128xf32, #tpu.memory_space<vmem>>, %arg12: memref<10112x128xf32, #tpu.memory_space<vmem_shared>>) attributes {dimension_semantics = [#tpu.dimension_semantics<core_parallel>, #tpu.dimension_semantics<subcore_parallel>], iteration_bounds = array<i64: 2, 16>, scalar_prefetch = 0 : i64, scratch_operands = 4 : i64, tpu.core_type = #tpu.core_type<sc_vector_subcore>, window_params = [{transform_indices = #map}, {transform_indices = #map1}, {transform_indices = #map1}, {transform_indices = #map}, {transform_indices = #map}, {transform_indices = #map1}, {transform_indices = #map1}]} {
    %mul3A = arith.constant 2 : i32
    %mul3A_0 = arith.muli %arg1, %mul3A : i32
    %add3A = arith.addi %mul3A_0, %arg0 : i32
    %mul3A_1 = arith.constant 632 : i32
    %mul3A_2 = arith.muli %arg1, %mul3A_1 : i32
    "tpu.region"() ({
      %run_scoped3A = tpu.sem_alloc : memref<!tpu.dma_semaphore, #tpu.memory_space<semaphore_mem>>
      %dma_start3A = arith.constant 0 : i32
      %dma_start3A_28 = tpu.memref_slice %arg12[%mul3A_2, %dma_start3A] : memref<10112x128xf32, #tpu.memory_space<vmem_shared>> -> memref<632x128xf32, #tpu.memory_space<vmem_shared>>
      tpu.enqueue_dma source(%arg5 : memref<632x128xf32, #tpu.memory_space<hbm>>) target(%dma_start3A_28 : memref<632x128xf32, #tpu.memory_space<vmem_shared>>) target_semaphore(%run_scoped3A : memref<!tpu.dma_semaphore, #tpu.memory_space<semaphore_mem>>)
      %dma_wait3A = arith.constant 0 : i32
      %dma_wait3A_29 = tpu.memref_slice %arg12[%mul3A_2, %dma_wait3A] : memref<10112x128xf32, #tpu.memory_space<vmem_shared>> -> memref<632x128xf32, #tpu.memory_space<vmem_shared>>
      tpu.wait_dma2 semaphore(%run_scoped3A : memref<!tpu.dma_semaphore, #tpu.memory_space<semaphore_mem>>) src(%arg5 : memref<632x128xf32, #tpu.memory_space<hbm>>) dst(%dma_wait3A_29 : memref<632x128xf32, #tpu.memory_space<vmem_shared>>)
      tpu.yield
    }) : () -> ()
    "tpu.region"() ({
      %run_scoped3A = tpu.sem_alloc : memref<!tpu.dma_semaphore, #tpu.memory_space<semaphore_mem>>
      %dma_start3A = arith.constant 0 : i32
      %dma_start3A_28 = arith.constant 0 : i32
      %dma_start3A_29 = tpu.memref_slice %arg3[%add3A, %dma_start3A, %dma_start3A_28] : memref<32x79x128xi32, #tpu.memory_space<hbm>> -> memref<1x79x128xi32, #tpu.memory_space<hbm>>
      %dma_start3A_30 = tpu.memref_squeeze %dma_start3A_29 : memref<1x79x128xi32, #tpu.memory_space<hbm>> -> memref<79x128xi32, #tpu.memory_space<hbm>>
      %dma_start3A_31 = arith.constant 0 : i32
      %dma_start3A_32 = arith.constant 0 : i32
      %dma_start3A_33 = tpu.memref_slice %arg3[%add3A, %dma_start3A_31, %dma_start3A_32] : memref<32x79x128xi32, #tpu.memory_space<hbm>> -> memref<1x79x128xi32, #tpu.memory_space<hbm>>
      %dma_start3A_34 = tpu.memref_squeeze %dma_start3A_33 : memref<1x79x128xi32, #tpu.memory_space<hbm>> -> memref<79x128xi32, #tpu.memory_space<hbm>>
      tpu.enqueue_dma source(%dma_start3A_34 : memref<79x128xi32, #tpu.memory_space<hbm>>) target(%arg9 : memref<79x128xi32, #tpu.memory_space<vmem>>) target_semaphore(%run_scoped3A : memref<!tpu.dma_semaphore, #tpu.memory_space<semaphore_mem>>)
      %dma_wait3A = arith.constant 0 : i32
      %dma_wait3A_35 = arith.constant 0 : i32
      %dma_wait3A_36 = tpu.memref_slice %arg3[%add3A, %dma_wait3A, %dma_wait3A_35] : memref<32x79x128xi32, #tpu.memory_space<hbm>> -> memref<1x79x128xi32, #tpu.memory_space<hbm>>
      %dma_wait3A_37 = tpu.memref_squeeze %dma_wait3A_36 : memref<1x79x128xi32, #tpu.memory_space<hbm>> -> memref<79x128xi32, #tpu.memory_space<hbm>>
      %dma_wait3A_38 = arith.constant 0 : i32
      %dma_wait3A_39 = arith.constant 0 : i32
      %dma_wait3A_40 = tpu.memref_slice %arg3[%add3A, %dma_wait3A_38, %dma_wait3A_39] : memref<32x79x128xi32, #tpu.memory_space<hbm>> -> memref<1x79x128xi32, #tpu.memory_space<hbm>>
      %dma_wait3A_41 = tpu.memref_squeeze %dma_wait3A_40 : memref<1x79x128xi32, #tpu.memory_space<hbm>> -> memref<79x128xi32, #tpu.memory_space<hbm>>
      tpu.wait_dma2 semaphore(%run_scoped3A : memref<!tpu.dma_semaphore, #tpu.memory_space<semaphore_mem>>) src(%dma_wait3A_41 : memref<79x128xi32, #tpu.memory_space<hbm>>) dst(%arg9 : memref<79x128xi32, #tpu.memory_space<vmem>>)
      tpu.yield
    }) : () -> ()
    "tpu.region"() ({
      %run_scoped3A = tpu.sem_alloc : memref<!tpu.dma_semaphore, #tpu.memory_space<semaphore_mem>>
      %dma_start3A = arith.constant 0 : i32
      %dma_start3A_28 = arith.constant 0 : i32
      %dma_start3A_29 = tpu.memref_slice %arg4[%add3A, %dma_start3A, %dma_start3A_28] : memref<32x79x128xi32, #tpu.memory_space<hbm>> -> memref<1x79x128xi32, #tpu.memory_space<hbm>>
      %dma_start3A_30 = tpu.memref_squeeze %dma_start3A_29 : memref<1x79x128xi32, #tpu.memory_space<hbm>> -> memref<79x128xi32, #tpu.memory_space<hbm>>
      %dma_start3A_31 = arith.constant 0 : i32
      %dma_start3A_32 = arith.constant 0 : i32
      %dma_start3A_33 = tpu.memref_slice %arg4[%add3A, %dma_start3A_31, %dma_start3A_32] : memref<32x79x128xi32, #tpu.memory_space<hbm>> -> memref<1x79x128xi32, #tpu.memory_space<hbm>>
      %dma_start3A_34 = tpu.memref_squeeze %dma_start3A_33 : memref<1x79x128xi32, #tpu.memory_space<hbm>> -> memref<79x128xi32, #tpu.memory_space<hbm>>
      tpu.enqueue_dma source(%dma_start3A_34 : memref<79x128xi32, #tpu.memory_space<hbm>>) target(%arg10 : memref<79x128xi32, #tpu.memory_space<vmem>>) target_semaphore(%run_scoped3A : memref<!tpu.dma_semaphore, #tpu.memory_space<semaphore_mem>>)
      %dma_wait3A = arith.constant 0 : i32
      %dma_wait3A_35 = arith.constant 0 : i32
      %dma_wait3A_36 = tpu.memref_slice %arg4[%add3A, %dma_wait3A, %dma_wait3A_35] : memref<32x79x128xi32, #tpu.memory_space<hbm>> -> memref<1x79x128xi32, #tpu.memory_space<hbm>>
      %dma_wait3A_37 = tpu.memref_squeeze %dma_wait3A_36 : memref<1x79x128xi32, #tpu.memory_space<hbm>> -> memref<79x128xi32, #tpu.memory_space<hbm>>
      %dma_wait3A_38 = arith.constant 0 : i32
      %dma_wait3A_39 = arith.constant 0 : i32
      %dma_wait3A_40 = tpu.memref_slice %arg4[%add3A, %dma_wait3A_38, %dma_wait3A_39] : memref<32x79x128xi32, #tpu.memory_space<hbm>> -> memref<1x79x128xi32, #tpu.memory_space<hbm>>
      %dma_wait3A_41 = tpu.memref_squeeze %dma_wait3A_40 : memref<1x79x128xi32, #tpu.memory_space<hbm>> -> memref<79x128xi32, #tpu.memory_space<hbm>>
      tpu.wait_dma2 semaphore(%run_scoped3A : memref<!tpu.dma_semaphore, #tpu.memory_space<semaphore_mem>>) src(%dma_wait3A_41 : memref<79x128xi32, #tpu.memory_space<hbm>>) dst(%arg10 : memref<79x128xi32, #tpu.memory_space<vmem>>)
      tpu.yield
    }) : () -> ()
    %barrier3A = arith.constant 0 : index
    tpu.barrier barrier_id(%barrier3A)
    %scan3A = arith.constant 0 : i32
    %scan3A_3 = arith.constant 0 : i32
    %scan3A_4 = arith.constant 79 : i32
    %scan3A_5 = arith.addi %scan3A_3, %scan3A_4 : i32
    %scan3A_6 = arith.constant 1 : i32
    scf.for %scan3A_28 = %scan3A_3 to %scan3A_5 step %scan3A_6  : i32 {
      "tpu.region"() ({
        %run_scoped3A = tpu.sem_alloc : memref<!tpu.dma_semaphore, #tpu.memory_space<semaphore_mem>>
        %dma_start3A = arith.constant 0 : i32
        %dma_start3A_29 = tpu.memref_slice %arg9[%scan3A_28, %dma_start3A] : memref<79x128xi32, #tpu.memory_space<vmem>> -> memref<1x128xi32, #tpu.memory_space<vmem>>
        %dma_start3A_30 = tpu.memref_squeeze %dma_start3A_29 : memref<1x128xi32, #tpu.memory_space<vmem>> -> memref<128xi32, #tpu.memory_space<vmem>>
        %dma_start3A_31 = arith.constant 0 : i32
        %dma_start3A_32 = arith.constant 0 : i32
        %dma_start3A_33 = tpu.memref_slice %arg2[%dma_start3A_31, %dma_start3A_32] : memref<10112x128xf32, #tpu.memory_space<hbm>> -> memref<10112x128xf32, #tpu.memory_space<hbm>>
        tpu.enqueue_indirect_dma source(%dma_start3A_33 : memref<10112x128xf32, #tpu.memory_space<hbm>>) target(%arg11 : memref<128x128xf32, #tpu.memory_space<vmem>>) offsets(%dma_start3A_30 : memref<128xi32, #tpu.memory_space<vmem>>) semaphore(%run_scoped3A : memref<!tpu.dma_semaphore, #tpu.memory_space<semaphore_mem>>)
        %dma_wait3A = arith.constant 0 : i32
        %dma_wait3A_34 = tpu.memref_slice %arg9[%scan3A_28, %dma_wait3A] : memref<79x128xi32, #tpu.memory_space<vmem>> -> memref<1x128xi32, #tpu.memory_space<vmem>>
        %dma_wait3A_35 = tpu.memref_squeeze %dma_wait3A_34 : memref<1x128xi32, #tpu.memory_space<vmem>> -> memref<128xi32, #tpu.memory_space<vmem>>
        %dma_wait3A_36 = arith.constant 0 : i32
        %dma_wait3A_37 = arith.constant 0 : i32
        %dma_wait3A_38 = tpu.memref_slice %arg2[%dma_wait3A_36, %dma_wait3A_37] : memref<10112x128xf32, #tpu.memory_space<hbm>> -> memref<10112x128xf32, #tpu.memory_space<hbm>>
        tpu.wait_indirect_dma semaphore(%run_scoped3A : memref<!tpu.dma_semaphore, #tpu.memory_space<semaphore_mem>>) src(%dma_wait3A_38 : memref<10112x128xf32, #tpu.memory_space<hbm>>) dst(%arg11 : memref<128x128xf32, #tpu.memory_space<vmem>>)
        tpu.yield
      }) : () -> ()
      "tpu.region"() ({
        %run_scoped3A = tpu.sem_alloc : memref<!tpu.dma_semaphore, #tpu.memory_space<semaphore_mem>>
        %dma_start3A = arith.constant 0 : i32
        %dma_start3A_29 = tpu.memref_slice %arg10[%scan3A_28, %dma_start3A] : memref<79x128xi32, #tpu.memory_space<vmem>> -> memref<1x128xi32, #tpu.memory_space<vmem>>
        %dma_start3A_30 = tpu.memref_squeeze %dma_start3A_29 : memref<1x128xi32, #tpu.memory_space<vmem>> -> memref<128xi32, #tpu.memory_space<vmem>>
        %dma_start3A_31 = arith.constant 0 : i32
        %dma_start3A_32 = arith.constant 0 : i32
        %dma_start3A_33 = tpu.memref_slice %arg12[%dma_start3A_31, %dma_start3A_32] : memref<10112x128xf32, #tpu.memory_space<vmem_shared>> -> memref<10112x128xf32, #tpu.memory_space<vmem_shared>>
        tpu.enqueue_indirect_dma source(%arg11 : memref<128x128xf32, #tpu.memory_space<vmem>>) target(%dma_start3A_33 : memref<10112x128xf32, #tpu.memory_space<vmem_shared>>) offsets(%dma_start3A_30 : memref<128xi32, #tpu.memory_space<vmem>>) semaphore(%run_scoped3A : memref<!tpu.dma_semaphore, #tpu.memory_space<semaphore_mem>>) {add = true}
        %dma_wait3A = arith.constant 0 : i32
        %dma_wait3A_34 = tpu.memref_slice %arg10[%scan3A_28, %dma_wait3A] : memref<79x128xi32, #tpu.memory_space<vmem>> -> memref<1x128xi32, #tpu.memory_space<vmem>>
        %dma_wait3A_35 = tpu.memref_squeeze %dma_wait3A_34 : memref<1x128xi32, #tpu.memory_space<vmem>> -> memref<128xi32, #tpu.memory_space<vmem>>
        %dma_wait3A_36 = arith.constant 0 : i32
        %dma_wait3A_37 = arith.constant 0 : i32
        %dma_wait3A_38 = tpu.memref_slice %arg12[%dma_wait3A_36, %dma_wait3A_37] : memref<10112x128xf32, #tpu.memory_space<vmem_shared>> -> memref<10112x128xf32, #tpu.memory_space<vmem_shared>>
        tpu.wait_indirect_dma semaphore(%run_scoped3A : memref<!tpu.dma_semaphore, #tpu.memory_space<semaphore_mem>>) src(%arg11 : memref<128x128xf32, #tpu.memory_space<vmem>>) dst(%dma_wait3A_38 : memref<10112x128xf32, #tpu.memory_space<vmem_shared>>)
        tpu.yield
      }) : () -> ()
    }
    %scan3A_7 = arith.constant 79 : i32
    %barrier3A_8 = arith.constant 0 : index
    tpu.barrier barrier_id(%barrier3A_8)
    %mul3A_9 = arith.constant 632 : i32
    %mul3A_10 = arith.muli %arg1, %mul3A_9 : i32
    %mul3A_11 = arith.constant 632 : i32
    %mul3A_12 = arith.muli %arg1, %mul3A_11 : i32
    "tpu.region"() ({
      %run_scoped3A = tpu.sem_alloc : memref<!tpu.dma_semaphore, #tpu.memory_space<semaphore_mem>>
      %dma_start3A = arith.constant 0 : i32
      %dma_start3A_28 = tpu.memref_slice %arg7[%arg0, %mul3A_12, %dma_start3A] : memref<2x10112x128xf32, #tpu.memory_space<hbm>> -> memref<1x632x128xf32, #tpu.memory_space<hbm>>
      %dma_start3A_29 = tpu.memref_squeeze %dma_start3A_28 : memref<1x632x128xf32, #tpu.memory_space<hbm>> -> memref<632x128xf32, #tpu.memory_space<hbm>>
      %dma_start3A_30 = arith.constant 0 : i32
      %dma_start3A_31 = tpu.memref_slice %arg12[%mul3A_10, %dma_start3A_30] : memref<10112x128xf32, #tpu.memory_space<vmem_shared>> -> memref<632x128xf32, #tpu.memory_space<vmem_shared>>
      tpu.enqueue_dma source(%dma_start3A_31 : memref<632x128xf32, #tpu.memory_space<vmem_shared>>) target(%dma_start3A_29 : memref<632x128xf32, #tpu.memory_space<hbm>>) target_semaphore(%run_scoped3A : memref<!tpu.dma_semaphore, #tpu.memory_space<semaphore_mem>>)
      %dma_wait3A = arith.constant 0 : i32
      %dma_wait3A_32 = tpu.memref_slice %arg7[%arg0, %mul3A_12, %dma_wait3A] : memref<2x10112x128xf32, #tpu.memory_space<hbm>> -> memref<1x632x128xf32, #tpu.memory_space<hbm>>
      %dma_wait3A_33 = tpu.memref_squeeze %dma_wait3A_32 : memref<1x632x128xf32, #tpu.memory_space<hbm>> -> memref<632x128xf32, #tpu.memory_space<hbm>>
      %dma_wait3A_34 = arith.constant 0 : i32
      %dma_wait3A_35 = tpu.memref_slice %arg12[%mul3A_10, %dma_wait3A_34] : memref<10112x128xf32, #tpu.memory_space<vmem_shared>> -> memref<632x128xf32, #tpu.memory_space<vmem_shared>>
      tpu.wait_dma2 semaphore(%run_scoped3A : memref<!tpu.dma_semaphore, #tpu.memory_space<semaphore_mem>>) src(%dma_wait3A_35 : memref<632x128xf32, #tpu.memory_space<vmem_shared>>) dst(%dma_wait3A_33 : memref<632x128xf32, #tpu.memory_space<hbm>>)
      tpu.yield
    }) : () -> ()
    %barrier3A_13 = arith.constant 0 : index
    tpu.barrier barrier_id(%barrier3A_13)
    %mul3A_14 = arith.constant 632 : i32
    %mul3A_15 = arith.muli %arg1, %mul3A_14 : i32
    "tpu.region"() ({
      %run_scoped3A = tpu.sem_alloc : memref<!tpu.dma_semaphore, #tpu.memory_space<semaphore_mem>>
      %dma_start3A = arith.constant 0 : i32
      %dma_start3A_28 = tpu.memref_slice %arg12[%mul3A_15, %dma_start3A] : memref<10112x128xf32, #tpu.memory_space<vmem_shared>> -> memref<632x128xf32, #tpu.memory_space<vmem_shared>>
      tpu.enqueue_dma source(%arg5 : memref<632x128xf32, #tpu.memory_space<hbm>>) target(%dma_start3A_28 : memref<632x128xf32, #tpu.memory_space<vmem_shared>>) target_semaphore(%run_scoped3A : memref<!tpu.dma_semaphore, #tpu.memory_space<semaphore_mem>>)
      %dma_wait3A = arith.constant 0 : i32
      %dma_wait3A_29 = tpu.memref_slice %arg12[%mul3A_15, %dma_wait3A] : memref<10112x128xf32, #tpu.memory_space<vmem_shared>> -> memref<632x128xf32, #tpu.memory_space<vmem_shared>>
      tpu.wait_dma2 semaphore(%run_scoped3A : memref<!tpu.dma_semaphore, #tpu.memory_space<semaphore_mem>>) src(%arg5 : memref<632x128xf32, #tpu.memory_space<hbm>>) dst(%dma_wait3A_29 : memref<632x128xf32, #tpu.memory_space<vmem_shared>>)
      tpu.yield
    }) : () -> ()
    "tpu.region"() ({
      %run_scoped3A = tpu.sem_alloc : memref<!tpu.dma_semaphore, #tpu.memory_space<semaphore_mem>>
      tpu.enqueue_dma source(%arg6 : memref<128x128xf32, #tpu.memory_space<hbm>>) target(%arg11 : memref<128x128xf32, #tpu.memory_space<vmem>>) target_semaphore(%run_scoped3A : memref<!tpu.dma_semaphore, #tpu.memory_space<semaphore_mem>>)
      tpu.wait_dma2 semaphore(%run_scoped3A : memref<!tpu.dma_semaphore, #tpu.memory_space<semaphore_mem>>) src(%arg6 : memref<128x128xf32, #tpu.memory_space<hbm>>) dst(%arg11 : memref<128x128xf32, #tpu.memory_space<vmem>>)
      tpu.yield
    }) : () -> ()
    %barrier3A_16 = arith.constant 0 : index
    tpu.barrier barrier_id(%barrier3A_16)
    %scan3A_17 = arith.constant 0 : i32
    %scan3A_18 = arith.constant 0 : i32
    %scan3A_19 = arith.constant 79 : i32
    %scan3A_20 = arith.addi %scan3A_18, %scan3A_19 : i32
    %scan3A_21 = arith.constant 1 : i32
    scf.for %scan3A_28 = %scan3A_18 to %scan3A_20 step %scan3A_21  : i32 {
      "tpu.region"() ({
        %run_scoped3A = tpu.sem_alloc : memref<!tpu.dma_semaphore, #tpu.memory_space<semaphore_mem>>
        %dma_start3A = arith.constant 0 : i32
        %dma_start3A_29 = tpu.memref_slice %arg10[%scan3A_28, %dma_start3A] : memref<79x128xi32, #tpu.memory_space<vmem>> -> memref<1x128xi32, #tpu.memory_space<vmem>>
        %dma_start3A_30 = tpu.memref_squeeze %dma_start3A_29 : memref<1x128xi32, #tpu.memory_space<vmem>> -> memref<128xi32, #tpu.memory_space<vmem>>
        %dma_start3A_31 = arith.constant 0 : i32
        %dma_start3A_32 = arith.constant 0 : i32
        %dma_start3A_33 = tpu.memref_slice %arg12[%dma_start3A_31, %dma_start3A_32] : memref<10112x128xf32, #tpu.memory_space<vmem_shared>> -> memref<10112x128xf32, #tpu.memory_space<vmem_shared>>
        tpu.enqueue_indirect_dma source(%arg11 : memref<128x128xf32, #tpu.memory_space<vmem>>) target(%dma_start3A_33 : memref<10112x128xf32, #tpu.memory_space<vmem_shared>>) offsets(%dma_start3A_30 : memref<128xi32, #tpu.memory_space<vmem>>) semaphore(%run_scoped3A : memref<!tpu.dma_semaphore, #tpu.memory_space<semaphore_mem>>) {add = true}
        %dma_wait3A = arith.constant 0 : i32
        %dma_wait3A_34 = tpu.memref_slice %arg10[%scan3A_28, %dma_wait3A] : memref<79x128xi32, #tpu.memory_space<vmem>> -> memref<1x128xi32, #tpu.memory_space<vmem>>
        %dma_wait3A_35 = tpu.memref_squeeze %dma_wait3A_34 : memref<1x128xi32, #tpu.memory_space<vmem>> -> memref<128xi32, #tpu.memory_space<vmem>>
        %dma_wait3A_36 = arith.constant 0 : i32
        %dma_wait3A_37 = arith.constant 0 : i32
        %dma_wait3A_38 = tpu.memref_slice %arg12[%dma_wait3A_36, %dma_wait3A_37] : memref<10112x128xf32, #tpu.memory_space<vmem_shared>> -> memref<10112x128xf32, #tpu.memory_space<vmem_shared>>
        tpu.wait_indirect_dma semaphore(%run_scoped3A : memref<!tpu.dma_semaphore, #tpu.memory_space<semaphore_mem>>) src(%arg11 : memref<128x128xf32, #tpu.memory_space<vmem>>) dst(%dma_wait3A_38 : memref<10112x128xf32, #tpu.memory_space<vmem_shared>>)
        tpu.yield
      }) : () -> ()
    }
    %scan3A_22 = arith.constant 79 : i32
    %barrier3A_23 = arith.constant 0 : index
    tpu.barrier barrier_id(%barrier3A_23)
    %mul3A_24 = arith.constant 632 : i32
    %mul3A_25 = arith.muli %arg1, %mul3A_24 : i32
    %mul3A_26 = arith.constant 632 : i32
    %mul3A_27 = arith.muli %arg1, %mul3A_26 : i32
    "tpu.region"() ({
      %run_scoped3A = tpu.sem_alloc : memref<!tpu.dma_semaphore, #tpu.memory_space<semaphore_mem>>
      %dma_start3A = arith.constant 0 : i32
      %dma_start3A_28 = tpu.memref_slice %arg8[%arg0, %mul3A_27, %dma_start3A] : memref<2x10112x128xf32, #tpu.memory_space<hbm>> -> memref<1x632x128xf32, #tpu.memory_space<hbm>>
      %dma_start3A_29 = tpu.memref_squeeze %dma_start3A_28 : memref<1x632x128xf32, #tpu.memory_space<hbm>> -> memref<632x128xf32, #tpu.memory_space<hbm>>
      %dma_start3A_30 = arith.constant 0 : i32
      %dma_start3A_31 = tpu.memref_slice %arg12[%mul3A_25, %dma_start3A_30] : memref<10112x128xf32, #tpu.memory_space<vmem_shared>> -> memref<632x128xf32, #tpu.memory_space<vmem_shared>>
      tpu.enqueue_dma source(%dma_start3A_31 : memref<632x128xf32, #tpu.memory_space<vmem_shared>>) target(%dma_start3A_29 : memref<632x128xf32, #tpu.memory_space<hbm>>) target_semaphore(%run_scoped3A : memref<!tpu.dma_semaphore, #tpu.memory_space<semaphore_mem>>)
      %dma_wait3A = arith.constant 0 : i32
      %dma_wait3A_32 = tpu.memref_slice %arg8[%arg0, %mul3A_27, %dma_wait3A] : memref<2x10112x128xf32, #tpu.memory_space<hbm>> -> memref<1x632x128xf32, #tpu.memory_space<hbm>>
      %dma_wait3A_33 = tpu.memref_squeeze %dma_wait3A_32 : memref<1x632x128xf32, #tpu.memory_space<hbm>> -> memref<632x128xf32, #tpu.memory_space<hbm>>
      %dma_wait3A_34 = arith.constant 0 : i32
      %dma_wait3A_35 = tpu.memref_slice %arg12[%mul3A_25, %dma_wait3A_34] : memref<10112x128xf32, #tpu.memory_space<vmem_shared>> -> memref<632x128xf32, #tpu.memory_space<vmem_shared>>
      tpu.wait_dma2 semaphore(%run_scoped3A : memref<!tpu.dma_semaphore, #tpu.memory_space<semaphore_mem>>) src(%dma_wait3A_35 : memref<632x128xf32, #tpu.memory_space<vmem_shared>>) dst(%dma_wait3A_33 : memref<632x128xf32, #tpu.memory_space<hbm>>)
      tpu.yield
    }) : () -> ()
    return
  }
}

#map = affine_map<(d0, d1) -> (0, 0)>
#map1 = affine_map<(d0, d1) -> (0, 0, 0)>
module attributes {stable_mosaic.version = 14 : i64} {
  func.func @gather_kernel(%arg0: i32, %arg1: i32, %arg2: memref<10112x128xf32, #tpu.memory_space<hbm>>, %arg3: memref<10112x128xf32, #tpu.memory_space<hbm>>, %arg4: memref<32x79x128xi32, #tpu.memory_space<hbm>>, %arg5: memref<32x79x128xi32, #tpu.memory_space<hbm>>, %arg6: memref<323584x128xf32, #tpu.memory_space<hbm>>, %arg7: memref<323584x128xf32, #tpu.memory_space<hbm>>, %arg8: memref<79x128xi32, #tpu.memory_space<vmem>>, %arg9: memref<79x128xi32, #tpu.memory_space<vmem>>, %arg10: memref<128x128xf32, #tpu.memory_space<vmem>>, %arg11: memref<128x128xf32, #tpu.memory_space<vmem>>) attributes {dimension_semantics = [#tpu.dimension_semantics<core_parallel>, #tpu.dimension_semantics<subcore_parallel>], iteration_bounds = array<i64: 2, 16>, scalar_prefetch = 0 : i64, scratch_operands = 4 : i64, tpu.core_type = #tpu.core_type<sc_vector_subcore>, window_params = [{transform_indices = #map}, {transform_indices = #map}, {transform_indices = #map1}, {transform_indices = #map1}, {transform_indices = #map}, {transform_indices = #map}]} {
    %mul3A = arith.constant 2 : i32
    %mul3A_0 = arith.muli %arg1, %mul3A : i32
    %add3A = arith.addi %mul3A_0, %arg0 : i32
    %mul3A_1 = arith.constant 10112 : i32
    %mul3A_2 = arith.muli %add3A, %mul3A_1 : i32
    "tpu.region"() ({
      %run_scoped3A = tpu.sem_alloc : memref<!tpu.dma_semaphore, #tpu.memory_space<semaphore_mem>>
      %dma_start3A = arith.constant 0 : i32
      %dma_start3A_8 = arith.constant 0 : i32
      %dma_start3A_9 = tpu.memref_slice %arg4[%add3A, %dma_start3A, %dma_start3A_8] : memref<32x79x128xi32, #tpu.memory_space<hbm>> -> memref<1x79x128xi32, #tpu.memory_space<hbm>>
      %dma_start3A_10 = tpu.memref_squeeze %dma_start3A_9 : memref<1x79x128xi32, #tpu.memory_space<hbm>> -> memref<79x128xi32, #tpu.memory_space<hbm>>
      %dma_start3A_11 = arith.constant 0 : i32
      %dma_start3A_12 = arith.constant 0 : i32
      %dma_start3A_13 = tpu.memref_slice %arg4[%add3A, %dma_start3A_11, %dma_start3A_12] : memref<32x79x128xi32, #tpu.memory_space<hbm>> -> memref<1x79x128xi32, #tpu.memory_space<hbm>>
      %dma_start3A_14 = tpu.memref_squeeze %dma_start3A_13 : memref<1x79x128xi32, #tpu.memory_space<hbm>> -> memref<79x128xi32, #tpu.memory_space<hbm>>
      tpu.enqueue_dma source(%dma_start3A_14 : memref<79x128xi32, #tpu.memory_space<hbm>>) target(%arg8 : memref<79x128xi32, #tpu.memory_space<vmem>>) target_semaphore(%run_scoped3A : memref<!tpu.dma_semaphore, #tpu.memory_space<semaphore_mem>>)
      %dma_wait3A = arith.constant 0 : i32
      %dma_wait3A_15 = arith.constant 0 : i32
      %dma_wait3A_16 = tpu.memref_slice %arg4[%add3A, %dma_wait3A, %dma_wait3A_15] : memref<32x79x128xi32, #tpu.memory_space<hbm>> -> memref<1x79x128xi32, #tpu.memory_space<hbm>>
      %dma_wait3A_17 = tpu.memref_squeeze %dma_wait3A_16 : memref<1x79x128xi32, #tpu.memory_space<hbm>> -> memref<79x128xi32, #tpu.memory_space<hbm>>
      %dma_wait3A_18 = arith.constant 0 : i32
      %dma_wait3A_19 = arith.constant 0 : i32
      %dma_wait3A_20 = tpu.memref_slice %arg4[%add3A, %dma_wait3A_18, %dma_wait3A_19] : memref<32x79x128xi32, #tpu.memory_space<hbm>> -> memref<1x79x128xi32, #tpu.memory_space<hbm>>
      %dma_wait3A_21 = tpu.memref_squeeze %dma_wait3A_20 : memref<1x79x128xi32, #tpu.memory_space<hbm>> -> memref<79x128xi32, #tpu.memory_space<hbm>>
      tpu.wait_dma2 semaphore(%run_scoped3A : memref<!tpu.dma_semaphore, #tpu.memory_space<semaphore_mem>>) src(%dma_wait3A_21 : memref<79x128xi32, #tpu.memory_space<hbm>>) dst(%arg8 : memref<79x128xi32, #tpu.memory_space<vmem>>)
      tpu.yield
    }) : () -> ()
    "tpu.region"() ({
      %run_scoped3A = tpu.sem_alloc : memref<!tpu.dma_semaphore, #tpu.memory_space<semaphore_mem>>
      %dma_start3A = arith.constant 0 : i32
      %dma_start3A_8 = arith.constant 0 : i32
      %dma_start3A_9 = tpu.memref_slice %arg5[%add3A, %dma_start3A, %dma_start3A_8] : memref<32x79x128xi32, #tpu.memory_space<hbm>> -> memref<1x79x128xi32, #tpu.memory_space<hbm>>
      %dma_start3A_10 = tpu.memref_squeeze %dma_start3A_9 : memref<1x79x128xi32, #tpu.memory_space<hbm>> -> memref<79x128xi32, #tpu.memory_space<hbm>>
      %dma_start3A_11 = arith.constant 0 : i32
      %dma_start3A_12 = arith.constant 0 : i32
      %dma_start3A_13 = tpu.memref_slice %arg5[%add3A, %dma_start3A_11, %dma_start3A_12] : memref<32x79x128xi32, #tpu.memory_space<hbm>> -> memref<1x79x128xi32, #tpu.memory_space<hbm>>
      %dma_start3A_14 = tpu.memref_squeeze %dma_start3A_13 : memref<1x79x128xi32, #tpu.memory_space<hbm>> -> memref<79x128xi32, #tpu.memory_space<hbm>>
      tpu.enqueue_dma source(%dma_start3A_14 : memref<79x128xi32, #tpu.memory_space<hbm>>) target(%arg9 : memref<79x128xi32, #tpu.memory_space<vmem>>) target_semaphore(%run_scoped3A : memref<!tpu.dma_semaphore, #tpu.memory_space<semaphore_mem>>)
      %dma_wait3A = arith.constant 0 : i32
      %dma_wait3A_15 = arith.constant 0 : i32
      %dma_wait3A_16 = tpu.memref_slice %arg5[%add3A, %dma_wait3A, %dma_wait3A_15] : memref<32x79x128xi32, #tpu.memory_space<hbm>> -> memref<1x79x128xi32, #tpu.memory_space<hbm>>
      %dma_wait3A_17 = tpu.memref_squeeze %dma_wait3A_16 : memref<1x79x128xi32, #tpu.memory_space<hbm>> -> memref<79x128xi32, #tpu.memory_space<hbm>>
      %dma_wait3A_18 = arith.constant 0 : i32
      %dma_wait3A_19 = arith.constant 0 : i32
      %dma_wait3A_20 = tpu.memref_slice %arg5[%add3A, %dma_wait3A_18, %dma_wait3A_19] : memref<32x79x128xi32, #tpu.memory_space<hbm>> -> memref<1x79x128xi32, #tpu.memory_space<hbm>>
      %dma_wait3A_21 = tpu.memref_squeeze %dma_wait3A_20 : memref<1x79x128xi32, #tpu.memory_space<hbm>> -> memref<79x128xi32, #tpu.memory_space<hbm>>
      tpu.wait_dma2 semaphore(%run_scoped3A : memref<!tpu.dma_semaphore, #tpu.memory_space<semaphore_mem>>) src(%dma_wait3A_21 : memref<79x128xi32, #tpu.memory_space<hbm>>) dst(%arg9 : memref<79x128xi32, #tpu.memory_space<vmem>>)
      tpu.yield
    }) : () -> ()
    %scan3A = arith.constant 0 : i32
    %scan3A_3 = arith.constant 0 : i32
    %scan3A_4 = arith.constant 79 : i32
    %scan3A_5 = arith.addi %scan3A_3, %scan3A_4 : i32
    %scan3A_6 = arith.constant 1 : i32
    scf.for %scan3A_8 = %scan3A_3 to %scan3A_5 step %scan3A_6  : i32 {
      "tpu.region"() ({
        %run_scoped3A = tpu.sem_alloc : memref<!tpu.dma_semaphore, #tpu.memory_space<semaphore_mem>>
        %dma_start3A = arith.constant 0 : i32
        %dma_start3A_15 = tpu.memref_slice %arg8[%scan3A_8, %dma_start3A] : memref<79x128xi32, #tpu.memory_space<vmem>> -> memref<1x128xi32, #tpu.memory_space<vmem>>
        %dma_start3A_16 = tpu.memref_squeeze %dma_start3A_15 : memref<1x128xi32, #tpu.memory_space<vmem>> -> memref<128xi32, #tpu.memory_space<vmem>>
        %dma_start3A_17 = arith.constant 0 : i32
        %dma_start3A_18 = arith.constant 0 : i32
        %dma_start3A_19 = tpu.memref_slice %arg2[%dma_start3A_17, %dma_start3A_18] : memref<10112x128xf32, #tpu.memory_space<hbm>> -> memref<10112x128xf32, #tpu.memory_space<hbm>>
        tpu.enqueue_indirect_dma source(%dma_start3A_19 : memref<10112x128xf32, #tpu.memory_space<hbm>>) target(%arg10 : memref<128x128xf32, #tpu.memory_space<vmem>>) offsets(%dma_start3A_16 : memref<128xi32, #tpu.memory_space<vmem>>) semaphore(%run_scoped3A : memref<!tpu.dma_semaphore, #tpu.memory_space<semaphore_mem>>)
        %dma_wait3A = arith.constant 0 : i32
        %dma_wait3A_20 = tpu.memref_slice %arg8[%scan3A_8, %dma_wait3A] : memref<79x128xi32, #tpu.memory_space<vmem>> -> memref<1x128xi32, #tpu.memory_space<vmem>>
        %dma_wait3A_21 = tpu.memref_squeeze %dma_wait3A_20 : memref<1x128xi32, #tpu.memory_space<vmem>> -> memref<128xi32, #tpu.memory_space<vmem>>
        %dma_wait3A_22 = arith.constant 0 : i32
        %dma_wait3A_23 = arith.constant 0 : i32
        %dma_wait3A_24 = tpu.memref_slice %arg2[%dma_wait3A_22, %dma_wait3A_23] : memref<10112x128xf32, #tpu.memory_space<hbm>> -> memref<10112x128xf32, #tpu.memory_space<hbm>>
        tpu.wait_indirect_dma semaphore(%run_scoped3A : memref<!tpu.dma_semaphore, #tpu.memory_space<semaphore_mem>>) src(%dma_wait3A_24 : memref<10112x128xf32, #tpu.memory_space<hbm>>) dst(%arg10 : memref<128x128xf32, #tpu.memory_space<vmem>>)
        tpu.yield
      }) : () -> ()
      %mul3A_9 = arith.constant 128 : i32
      %mul3A_10 = arith.muli %scan3A_8, %mul3A_9 : i32
      %add3A_11 = arith.addi %mul3A_2, %mul3A_10 : i32
      "tpu.region"() ({
        %run_scoped3A = tpu.sem_alloc : memref<!tpu.dma_semaphore, #tpu.memory_space<semaphore_mem>>
        %dma_start3A = arith.constant 0 : i32
        %dma_start3A_15 = tpu.memref_slice %arg6[%add3A_11, %dma_start3A] : memref<323584x128xf32, #tpu.memory_space<hbm>> -> memref<128x128xf32, #tpu.memory_space<hbm>>
        %dma_start3A_16 = arith.constant 0 : i32
        %dma_start3A_17 = tpu.memref_slice %arg6[%add3A_11, %dma_start3A_16] : memref<323584x128xf32, #tpu.memory_space<hbm>> -> memref<128x128xf32, #tpu.memory_space<hbm>>
        tpu.enqueue_dma source(%arg10 : memref<128x128xf32, #tpu.memory_space<vmem>>) target(%dma_start3A_17 : memref<128x128xf32, #tpu.memory_space<hbm>>) target_semaphore(%run_scoped3A : memref<!tpu.dma_semaphore, #tpu.memory_space<semaphore_mem>>)
        %dma_wait3A = arith.constant 0 : i32
        %dma_wait3A_18 = tpu.memref_slice %arg6[%add3A_11, %dma_wait3A] : memref<323584x128xf32, #tpu.memory_space<hbm>> -> memref<128x128xf32, #tpu.memory_space<hbm>>
        %dma_wait3A_19 = arith.constant 0 : i32
        %dma_wait3A_20 = tpu.memref_slice %arg6[%add3A_11, %dma_wait3A_19] : memref<323584x128xf32, #tpu.memory_space<hbm>> -> memref<128x128xf32, #tpu.memory_space<hbm>>
        tpu.wait_dma2 semaphore(%run_scoped3A : memref<!tpu.dma_semaphore, #tpu.memory_space<semaphore_mem>>) src(%arg10 : memref<128x128xf32, #tpu.memory_space<vmem>>) dst(%dma_wait3A_20 : memref<128x128xf32, #tpu.memory_space<hbm>>)
        tpu.yield
      }) : () -> ()
      "tpu.region"() ({
        %run_scoped3A = tpu.sem_alloc : memref<!tpu.dma_semaphore, #tpu.memory_space<semaphore_mem>>
        %dma_start3A = arith.constant 0 : i32
        %dma_start3A_15 = tpu.memref_slice %arg9[%scan3A_8, %dma_start3A] : memref<79x128xi32, #tpu.memory_space<vmem>> -> memref<1x128xi32, #tpu.memory_space<vmem>>
        %dma_start3A_16 = tpu.memref_squeeze %dma_start3A_15 : memref<1x128xi32, #tpu.memory_space<vmem>> -> memref<128xi32, #tpu.memory_space<vmem>>
        %dma_start3A_17 = arith.constant 0 : i32
        %dma_start3A_18 = arith.constant 0 : i32
        %dma_start3A_19 = tpu.memref_slice %arg3[%dma_start3A_17, %dma_start3A_18] : memref<10112x128xf32, #tpu.memory_space<hbm>> -> memref<10112x128xf32, #tpu.memory_space<hbm>>
        tpu.enqueue_indirect_dma source(%dma_start3A_19 : memref<10112x128xf32, #tpu.memory_space<hbm>>) target(%arg11 : memref<128x128xf32, #tpu.memory_space<vmem>>) offsets(%dma_start3A_16 : memref<128xi32, #tpu.memory_space<vmem>>) semaphore(%run_scoped3A : memref<!tpu.dma_semaphore, #tpu.memory_space<semaphore_mem>>)
        %dma_wait3A = arith.constant 0 : i32
        %dma_wait3A_20 = tpu.memref_slice %arg9[%scan3A_8, %dma_wait3A] : memref<79x128xi32, #tpu.memory_space<vmem>> -> memref<1x128xi32, #tpu.memory_space<vmem>>
        %dma_wait3A_21 = tpu.memref_squeeze %dma_wait3A_20 : memref<1x128xi32, #tpu.memory_space<vmem>> -> memref<128xi32, #tpu.memory_space<vmem>>
        %dma_wait3A_22 = arith.constant 0 : i32
        %dma_wait3A_23 = arith.constant 0 : i32
        %dma_wait3A_24 = tpu.memref_slice %arg3[%dma_wait3A_22, %dma_wait3A_23] : memref<10112x128xf32, #tpu.memory_space<hbm>> -> memref<10112x128xf32, #tpu.memory_space<hbm>>
        tpu.wait_indirect_dma semaphore(%run_scoped3A : memref<!tpu.dma_semaphore, #tpu.memory_space<semaphore_mem>>) src(%dma_wait3A_24 : memref<10112x128xf32, #tpu.memory_space<hbm>>) dst(%arg11 : memref<128x128xf32, #tpu.memory_space<vmem>>)
        tpu.yield
      }) : () -> ()
      %mul3A_12 = arith.constant 128 : i32
      %mul3A_13 = arith.muli %scan3A_8, %mul3A_12 : i32
      %add3A_14 = arith.addi %mul3A_2, %mul3A_13 : i32
      "tpu.region"() ({
        %run_scoped3A = tpu.sem_alloc : memref<!tpu.dma_semaphore, #tpu.memory_space<semaphore_mem>>
        %dma_start3A = arith.constant 0 : i32
        %dma_start3A_15 = tpu.memref_slice %arg7[%add3A_14, %dma_start3A] : memref<323584x128xf32, #tpu.memory_space<hbm>> -> memref<128x128xf32, #tpu.memory_space<hbm>>
        %dma_start3A_16 = arith.constant 0 : i32
        %dma_start3A_17 = tpu.memref_slice %arg7[%add3A_14, %dma_start3A_16] : memref<323584x128xf32, #tpu.memory_space<hbm>> -> memref<128x128xf32, #tpu.memory_space<hbm>>
        tpu.enqueue_dma source(%arg11 : memref<128x128xf32, #tpu.memory_space<vmem>>) target(%dma_start3A_17 : memref<128x128xf32, #tpu.memory_space<hbm>>) target_semaphore(%run_scoped3A : memref<!tpu.dma_semaphore, #tpu.memory_space<semaphore_mem>>)
        %dma_wait3A = arith.constant 0 : i32
        %dma_wait3A_18 = tpu.memref_slice %arg7[%add3A_14, %dma_wait3A] : memref<323584x128xf32, #tpu.memory_space<hbm>> -> memref<128x128xf32, #tpu.memory_space<hbm>>
        %dma_wait3A_19 = arith.constant 0 : i32
        %dma_wait3A_20 = tpu.memref_slice %arg7[%add3A_14, %dma_wait3A_19] : memref<323584x128xf32, #tpu.memory_space<hbm>> -> memref<128x128xf32, #tpu.memory_space<hbm>>
        tpu.wait_dma2 semaphore(%run_scoped3A : memref<!tpu.dma_semaphore, #tpu.memory_space<semaphore_mem>>) src(%arg11 : memref<128x128xf32, #tpu.memory_space<vmem>>) dst(%dma_wait3A_20 : memref<128x128xf32, #tpu.memory_space<hbm>>)
        tpu.yield
      }) : () -> ()
    }
    %scan3A_7 = arith.constant 79 : i32
    return
  }
}

module attributes {stable_mosaic.version = 14 : i64} {
  func.func @_tc_pre_body(%arg0: memref<10000x128xf32, #tpu.memory_space<vmem>>, %arg1: memref<128x128xf32, #tpu.memory_space<vmem>>, %arg2: memref<128x128xf32, #tpu.memory_space<vmem>>, %arg3: memref<1x128xf32, #tpu.memory_space<vmem>>, %arg4: memref<10000x128xf32, #tpu.memory_space<vmem>>, %arg5: memref<10000x128xf32, #tpu.memory_space<vmem>>) attributes {dimension_semantics = [], scalar_prefetch = 0 : i64, scratch_operands = 0 : i64, tpu.core_type = #tpu.core_type<tc>} {
    %get3A = arith.constant 0 : index
    %get3A_0 = arith.constant 0 : index
    %get3A_1 = vector.load %arg0[%get3A, %get3A_0] : memref<10000x128xf32, #tpu.memory_space<vmem>>, vector<10000x128xf32>
    %get3A_2 = arith.constant 0 : index
    %get3A_3 = arith.constant 0 : index
    %get3A_4 = vector.load %arg1[%get3A_2, %get3A_3] : memref<128x128xf32, #tpu.memory_space<vmem>>, vector<128x128xf32>
    %dot_general3A = arith.constant dense<0.000000e+00> : vector<10000x128xf32>
    %dot_general3A_5 = tpu.matmul %get3A_1, %get3A_4, %dot_general3A {dimension_numbers = #tpu.dot_dimension_numbers<[1], [0], [0], [1], [0, 0, 1, 1], [], []>, transpose_lhs_hint = false} : vector<10000x128xf32>, vector<128x128xf32>, vector<10000x128xf32> -> vector<10000x128xf32>
    %swap3A = arith.constant 0 : index
    %swap3A_6 = arith.constant 0 : index
    %swap3A_7 = vector.load %arg4[%swap3A, %swap3A_6] : memref<10000x128xf32, #tpu.memory_space<vmem>>, vector<10000x128xf32>
    tpu.vector_store %arg4[%swap3A, %swap3A_6], %dot_general3A_5 {strides = array<i32>} : memref<10000x128xf32, #tpu.memory_space<vmem>>, vector<10000x128xf32>,
    %get3A_8 = arith.constant 0 : index
    %get3A_9 = arith.constant 0 : index
    %get3A_10 = vector.load %arg2[%get3A_8, %get3A_9] : memref<128x128xf32, #tpu.memory_space<vmem>>, vector<128x128xf32>
    %dot_general3A_11 = arith.constant dense<0.000000e+00> : vector<10000x128xf32>
    %dot_general3A_12 = tpu.matmul %get3A_1, %get3A_10, %dot_general3A_11 {dimension_numbers = #tpu.dot_dimension_numbers<[1], [0], [0], [1], [0, 0, 1, 1], [], []>, transpose_lhs_hint = false} : vector<10000x128xf32>, vector<128x128xf32>, vector<10000x128xf32> -> vector<10000x128xf32>
    %get3A_13 = arith.constant 0 : index
    %get3A_14 = arith.constant 0 : index
    %get3A_15 = vector.load %arg3[%get3A_13, %get3A_14] : memref<1x128xf32, #tpu.memory_space<vmem>>, vector<1x128xf32>
    %add3A = vector.broadcast %get3A_15 : vector<1x128xf32> to vector<10000x128xf32>
    %add3A_16 = arith.addf %dot_general3A_12, %add3A : vector<10000x128xf32>
    %swap3A_17 = arith.constant 0 : index
    %swap3A_18 = arith.constant 0 : index
    %swap3A_19 = vector.load %arg5[%swap3A_17, %swap3A_18] : memref<10000x128xf32, #tpu.memory_space<vmem>>, vector<10000x128xf32>
    tpu.vector_store %arg5[%swap3A_17, %swap3A_18], %add3A_16 {strides = array<i32>} : memref<10000x128xf32, #tpu.memory_space<vmem>>, vector<10000x128xf32>,
    return
  }
}

module attributes {stable_mosaic.version = 14 : i64} {
  func.func @_tc_mid_body(%arg0: memref<10112x128xf32, #tpu.memory_space<vmem>>, %arg1: memref<10112x128xf32, #tpu.memory_space<vmem>>, %arg2: memref<10112x128xf32, #tpu.memory_space<vmem>>, %arg3: memref<10112x128xf32, #tpu.memory_space<vmem>>, %arg4: memref<10000x128xf32, #tpu.memory_space<vmem>>, %arg5: memref<1x128xf32, #tpu.memory_space<vmem>>, %arg6: memref<1x128xf32, #tpu.memory_space<vmem>>, %arg7: memref<128x128xf32, #tpu.memory_space<vmem>>, %arg8: memref<128x128xf32, #tpu.memory_space<vmem>>, %arg9: memref<1x128xf32, #tpu.memory_space<vmem>>, %arg10: memref<10000x128xf32, #tpu.memory_space<vmem>>, %arg11: memref<10000x128xf32, #tpu.memory_space<vmem>>, %arg12: memref<10000x1xf32, #tpu.memory_space<vmem>>) attributes {dimension_semantics = [], scalar_prefetch = 0 : i64, scratch_operands = 0 : i64, tpu.core_type = #tpu.core_type<tc>} {
    %get3A = arith.constant 0 : index
    %get3A_0 = arith.constant 0 : index
    %get3A_1 = vector.load %arg0[%get3A, %get3A_0] : memref<10112x128xf32, #tpu.memory_space<vmem>>, vector<10112x128xf32>
    %slice3A = vector.extract_strided_slice %get3A_1 {offsets = [0, 0], sizes = [10000, 128], strides = [1, 1]} : vector<10112x128xf32> to vector<10000x128xf32>
    %get3A_2 = arith.constant 0 : index
    %get3A_3 = arith.constant 0 : index
    %get3A_4 = vector.load %arg1[%get3A_2, %get3A_3] : memref<10112x128xf32, #tpu.memory_space<vmem>>, vector<10112x128xf32>
    %slice3A_5 = vector.extract_strided_slice %get3A_4 {offsets = [0, 0], sizes = [10000, 128], strides = [1, 1]} : vector<10112x128xf32> to vector<10000x128xf32>
    %add3A = arith.addf %slice3A, %slice3A_5 : vector<10000x128xf32>
    %get3A_6 = arith.constant 0 : index
    %get3A_7 = arith.constant 0 : index
    %get3A_8 = vector.load %arg2[%get3A_6, %get3A_7] : memref<10112x128xf32, #tpu.memory_space<vmem>>, vector<10112x128xf32>
    %slice3A_9 = vector.extract_strided_slice %get3A_8 {offsets = [0, 0], sizes = [10000, 1], strides = [1, 1]} : vector<10112x128xf32> to vector<10000x1xf32>
    %get3A_10 = arith.constant 0 : index
    %get3A_11 = arith.constant 0 : index
    %get3A_12 = vector.load %arg3[%get3A_10, %get3A_11] : memref<10112x128xf32, #tpu.memory_space<vmem>>, vector<10112x128xf32>
    %slice3A_13 = vector.extract_strided_slice %get3A_12 {offsets = [0, 0], sizes = [10000, 1], strides = [1, 1]} : vector<10112x128xf32> to vector<10000x1xf32>
    %add3A_14 = arith.addf %slice3A_9, %slice3A_13 : vector<10000x1xf32>
    %max3A = arith.constant 1.000000e+00 : f32
    %max3A_15 = vector.broadcast %max3A : f32 to vector<10000x1xf32>
    %max3A_16 = arith.maximumf %add3A_14, %max3A_15 : vector<10000x1xf32>
    %div3A = arith.constant 1.000000e+00 : f32
    %div3A_17 = vector.broadcast %div3A : f32 to vector<10000x1xf32>
    %div3A_18 = arith.divf %div3A_17, %max3A_16 : vector<10000x1xf32>
    %mul3A = vector.broadcast %div3A_18 : vector<10000x1xf32> to vector<10000x128xf32>
    %mul3A_19 = arith.mulf %add3A, %mul3A : vector<10000x128xf32>
    %get3A_20 = arith.constant 0 : index
    %get3A_21 = arith.constant 0 : index
    %get3A_22 = vector.load %arg4[%get3A_20, %get3A_21] : memref<10000x128xf32, #tpu.memory_space<vmem>>, vector<10000x128xf32>
    %add3A_23 = arith.addf %mul3A_19, %get3A_22 : vector<10000x128xf32>
    %get3A_24 = arith.constant 0 : index
    %get3A_25 = arith.constant 0 : index
    %get3A_26 = vector.load %arg5[%get3A_24, %get3A_25] : memref<1x128xf32, #tpu.memory_space<vmem>>, vector<1x128xf32>
    %get3A_27 = arith.constant 0 : index
    %get3A_28 = arith.constant 0 : index
    %get3A_29 = vector.load %arg6[%get3A_27, %get3A_28] : memref<1x128xf32, #tpu.memory_space<vmem>>, vector<1x128xf32>
    %reduce_sum3A = arith.constant dense<0.000000e+00> : vector<10000xf32>
    %reduce_sum3A_30 = vector.multi_reduction <add>, %add3A_23, %reduce_sum3A [1] : vector<10000x128xf32> to vector<10000xf32>
    %broadcast_in_dim3A = vector.shape_cast %reduce_sum3A_30 : vector<10000xf32> to vector<10000x1xf32>
    %div3A_31 = arith.constant 1.280000e+02 : f32
    %div3A_32 = vector.broadcast %div3A_31 : f32 to vector<10000x1xf32>
    %div3A_33 = arith.divf %broadcast_in_dim3A, %div3A_32 : vector<10000x1xf32>
    %sub3A = vector.broadcast %div3A_33 : vector<10000x1xf32> to vector<10000x128xf32>
    %sub3A_34 = arith.subf %add3A_23, %sub3A : vector<10000x128xf32>
    %integer_pow3A = arith.mulf %sub3A_34, %sub3A_34 : vector<10000x128xf32>
    %reduce_sum3A_35 = arith.constant dense<0.000000e+00> : vector<10000xf32>
    %reduce_sum3A_36 = vector.multi_reduction <add>, %integer_pow3A, %reduce_sum3A_35 [1] : vector<10000x128xf32> to vector<10000xf32>
    %broadcast_in_dim3A_37 = vector.shape_cast %reduce_sum3A_36 : vector<10000xf32> to vector<10000x1xf32>
    %div3A_38 = arith.constant 1.280000e+02 : f32
    %div3A_39 = vector.broadcast %div3A_38 : f32 to vector<10000x1xf32>
    %div3A_40 = arith.divf %broadcast_in_dim3A_37, %div3A_39 : vector<10000x1xf32>
    %sub3A_41 = vector.broadcast %div3A_33 : vector<10000x1xf32> to vector<10000x128xf32>
    %sub3A_42 = arith.subf %add3A_23, %sub3A_41 : vector<10000x128xf32>
    %add3A_43 = arith.constant 9.99999974E-6 : f32
    %add3A_44 = vector.broadcast %add3A_43 : f32 to vector<10000x1xf32>
    %add3A_45 = arith.addf %div3A_40, %add3A_44 : vector<10000x1xf32>
    %rsqrt3A = math.rsqrt %add3A_45 : vector<10000x1xf32>
    %mul3A_46 = vector.broadcast %rsqrt3A : vector<10000x1xf32> to vector<10000x128xf32>
    %mul3A_47 = arith.mulf %sub3A_42, %mul3A_46 : vector<10000x128xf32>
    %mul3A_48 = vector.broadcast %get3A_26 : vector<1x128xf32> to vector<10000x128xf32>
    %mul3A_49 = arith.mulf %mul3A_47, %mul3A_48 : vector<10000x128xf32>
    %add3A_50 = vector.broadcast %get3A_29 : vector<1x128xf32> to vector<10000x128xf32>
    %add3A_51 = arith.addf %mul3A_49, %add3A_50 : vector<10000x128xf32>
    %max3A_52 = arith.constant 0.000000e+00 : f32
    %max3A_53 = vector.broadcast %max3A_52 : f32 to vector<10000x128xf32>
    %max3A_54 = arith.maximumf %add3A_51, %max3A_53 : vector<10000x128xf32>
    %get3A_55 = arith.constant 0 : index
    %get3A_56 = arith.constant 0 : index
    %get3A_57 = vector.load %arg7[%get3A_55, %get3A_56] : memref<128x128xf32, #tpu.memory_space<vmem>>, vector<128x128xf32>
    %dot_general3A = arith.constant dense<0.000000e+00> : vector<10000x128xf32>
    %dot_general3A_58 = tpu.matmul %max3A_54, %get3A_57, %dot_general3A {dimension_numbers = #tpu.dot_dimension_numbers<[1], [0], [0], [1], [0, 0, 1, 1], [], []>, transpose_lhs_hint = false} : vector<10000x128xf32>, vector<128x128xf32>, vector<10000x128xf32> -> vector<10000x128xf32>
    %swap3A = arith.constant 0 : index
    %swap3A_59 = arith.constant 0 : index
    %swap3A_60 = vector.load %arg10[%swap3A, %swap3A_59] : memref<10000x128xf32, #tpu.memory_space<vmem>>, vector<10000x128xf32>
    tpu.vector_store %arg10[%swap3A, %swap3A_59], %dot_general3A_58 {strides = array<i32>} : memref<10000x128xf32, #tpu.memory_space<vmem>>, vector<10000x128xf32>,
    %get3A_61 = arith.constant 0 : index
    %get3A_62 = arith.constant 0 : index
    %get3A_63 = vector.load %arg8[%get3A_61, %get3A_62] : memref<128x128xf32, #tpu.memory_space<vmem>>, vector<128x128xf32>
    %dot_general3A_64 = arith.constant dense<0.000000e+00> : vector<10000x128xf32>
    %dot_general3A_65 = tpu.matmul %max3A_54, %get3A_63, %dot_general3A_64 {dimension_numbers = #tpu.dot_dimension_numbers<[1], [0], [0], [1], [0, 0, 1, 1], [], []>, transpose_lhs_hint = false} : vector<10000x128xf32>, vector<128x128xf32>, vector<10000x128xf32> -> vector<10000x128xf32>
    %get3A_66 = arith.constant 0 : index
    %get3A_67 = arith.constant 0 : index
    %get3A_68 = vector.load %arg9[%get3A_66, %get3A_67] : memref<1x128xf32, #tpu.memory_space<vmem>>, vector<1x128xf32>
    %add3A_69 = vector.broadcast %get3A_68 : vector<1x128xf32> to vector<10000x128xf32>
    %add3A_70 = arith.addf %dot_general3A_65, %add3A_69 : vector<10000x128xf32>
    %swap3A_71 = arith.constant 0 : index
    %swap3A_72 = arith.constant 0 : index
    %swap3A_73 = vector.load %arg11[%swap3A_71, %swap3A_72] : memref<10000x128xf32, #tpu.memory_space<vmem>>, vector<10000x128xf32>
    tpu.vector_store %arg11[%swap3A_71, %swap3A_72], %add3A_70 {strides = array<i32>} : memref<10000x128xf32, #tpu.memory_space<vmem>>, vector<10000x128xf32>,
    %swap3A_74 = arith.constant 0 : index
    %swap3A_75 = arith.constant 0 : index
    %swap3A_76 = vector.load %arg12[%swap3A_74, %swap3A_75] : memref<10000x1xf32, #tpu.memory_space<vmem>>, vector<10000x1xf32>
    tpu.vector_store %arg12[%swap3A_74, %swap3A_75], %div3A_18 {strides = array<i32>} : memref<10000x1xf32, #tpu.memory_space<vmem>>, vector<10000x1xf32>,
    return
  }
}

module attributes {stable_mosaic.version = 14 : i64} {
  func.func @_tc_fin_body(%arg0: memref<10112x128xf32, #tpu.memory_space<vmem>>, %arg1: memref<10112x128xf32, #tpu.memory_space<vmem>>, %arg2: memref<10000x128xf32, #tpu.memory_space<vmem>>, %arg3: memref<10000x1xf32, #tpu.memory_space<vmem>>, %arg4: memref<1x128xf32, #tpu.memory_space<vmem>>, %arg5: memref<1x128xf32, #tpu.memory_space<vmem>>, %arg6: memref<128x128xf32, #tpu.memory_space<vmem>>, %arg7: memref<128x128xf32, #tpu.memory_space<vmem>>, %arg8: memref<1x128xf32, #tpu.memory_space<vmem>>, %arg9: memref<10000x128xf32, #tpu.memory_space<vmem>>, %arg10: memref<10000x128xf32, #tpu.memory_space<vmem>>) attributes {dimension_semantics = [], scalar_prefetch = 0 : i64, scratch_operands = 0 : i64, tpu.core_type = #tpu.core_type<tc>} {
    %get3A = arith.constant 0 : index
    %get3A_0 = arith.constant 0 : index
    %get3A_1 = vector.load %arg0[%get3A, %get3A_0] : memref<10112x128xf32, #tpu.memory_space<vmem>>, vector<10112x128xf32>
    %slice3A = vector.extract_strided_slice %get3A_1 {offsets = [0, 0], sizes = [10000, 128], strides = [1, 1]} : vector<10112x128xf32> to vector<10000x128xf32>
    %get3A_2 = arith.constant 0 : index
    %get3A_3 = arith.constant 0 : index
    %get3A_4 = vector.load %arg1[%get3A_2, %get3A_3] : memref<10112x128xf32, #tpu.memory_space<vmem>>, vector<10112x128xf32>
    %slice3A_5 = vector.extract_strided_slice %get3A_4 {offsets = [0, 0], sizes = [10000, 128], strides = [1, 1]} : vector<10112x128xf32> to vector<10000x128xf32>
    %add3A = arith.addf %slice3A, %slice3A_5 : vector<10000x128xf32>
    %get3A_6 = arith.constant 0 : index
    %get3A_7 = arith.constant 0 : index
    %get3A_8 = vector.load %arg3[%get3A_6, %get3A_7] : memref<10000x1xf32, #tpu.memory_space<vmem>>, vector<10000x1xf32>
    %mul3A = vector.broadcast %get3A_8 : vector<10000x1xf32> to vector<10000x128xf32>
    %mul3A_9 = arith.mulf %add3A, %mul3A : vector<10000x128xf32>
    %get3A_10 = arith.constant 0 : index
    %get3A_11 = arith.constant 0 : index
    %get3A_12 = vector.load %arg2[%get3A_10, %get3A_11] : memref<10000x128xf32, #tpu.memory_space<vmem>>, vector<10000x128xf32>
    %add3A_13 = arith.addf %mul3A_9, %get3A_12 : vector<10000x128xf32>
    %get3A_14 = arith.constant 0 : index
    %get3A_15 = arith.constant 0 : index
    %get3A_16 = vector.load %arg4[%get3A_14, %get3A_15] : memref<1x128xf32, #tpu.memory_space<vmem>>, vector<1x128xf32>
    %get3A_17 = arith.constant 0 : index
    %get3A_18 = arith.constant 0 : index
    %get3A_19 = vector.load %arg5[%get3A_17, %get3A_18] : memref<1x128xf32, #tpu.memory_space<vmem>>, vector<1x128xf32>
    %reduce_sum3A = arith.constant dense<0.000000e+00> : vector<10000xf32>
    %reduce_sum3A_20 = vector.multi_reduction <add>, %add3A_13, %reduce_sum3A [1] : vector<10000x128xf32> to vector<10000xf32>
    %broadcast_in_dim3A = vector.shape_cast %reduce_sum3A_20 : vector<10000xf32> to vector<10000x1xf32>
    %div3A = arith.constant 1.280000e+02 : f32
    %div3A_21 = vector.broadcast %div3A : f32 to vector<10000x1xf32>
    %div3A_22 = arith.divf %broadcast_in_dim3A, %div3A_21 : vector<10000x1xf32>
    %sub3A = vector.broadcast %div3A_22 : vector<10000x1xf32> to vector<10000x128xf32>
    %sub3A_23 = arith.subf %add3A_13, %sub3A : vector<10000x128xf32>
    %integer_pow3A = arith.mulf %sub3A_23, %sub3A_23 : vector<10000x128xf32>
    %reduce_sum3A_24 = arith.constant dense<0.000000e+00> : vector<10000xf32>
    %reduce_sum3A_25 = vector.multi_reduction <add>, %integer_pow3A, %reduce_sum3A_24 [1] : vector<10000x128xf32> to vector<10000xf32>
    %broadcast_in_dim3A_26 = vector.shape_cast %reduce_sum3A_25 : vector<10000xf32> to vector<10000x1xf32>
    %div3A_27 = arith.constant 1.280000e+02 : f32
    %div3A_28 = vector.broadcast %div3A_27 : f32 to vector<10000x1xf32>
    %div3A_29 = arith.divf %broadcast_in_dim3A_26, %div3A_28 : vector<10000x1xf32>
    %sub3A_30 = vector.broadcast %div3A_22 : vector<10000x1xf32> to vector<10000x128xf32>
    %sub3A_31 = arith.subf %add3A_13, %sub3A_30 : vector<10000x128xf32>
    %add3A_32 = arith.constant 9.99999974E-6 : f32
    %add3A_33 = vector.broadcast %add3A_32 : f32 to vector<10000x1xf32>
    %add3A_34 = arith.addf %div3A_29, %add3A_33 : vector<10000x1xf32>
    %rsqrt3A = math.rsqrt %add3A_34 : vector<10000x1xf32>
    %mul3A_35 = vector.broadcast %rsqrt3A : vector<10000x1xf32> to vector<10000x128xf32>
    %mul3A_36 = arith.mulf %sub3A_31, %mul3A_35 : vector<10000x128xf32>
    %mul3A_37 = vector.broadcast %get3A_16 : vector<1x128xf32> to vector<10000x128xf32>
    %mul3A_38 = arith.mulf %mul3A_36, %mul3A_37 : vector<10000x128xf32>
    %add3A_39 = vector.broadcast %get3A_19 : vector<1x128xf32> to vector<10000x128xf32>
    %add3A_40 = arith.addf %mul3A_38, %add3A_39 : vector<10000x128xf32>
    %max3A = arith.constant 0.000000e+00 : f32
    %max3A_41 = vector.broadcast %max3A : f32 to vector<10000x128xf32>
    %max3A_42 = arith.maximumf %add3A_40, %max3A_41 : vector<10000x128xf32>
    %get3A_43 = arith.constant 0 : index
    %get3A_44 = arith.constant 0 : index
    %get3A_45 = vector.load %arg6[%get3A_43, %get3A_44] : memref<128x128xf32, #tpu.memory_space<vmem>>, vector<128x128xf32>
    %dot_general3A = arith.constant dense<0.000000e+00> : vector<10000x128xf32>
    %dot_general3A_46 = tpu.matmul %max3A_42, %get3A_45, %dot_general3A {dimension_numbers = #tpu.dot_dimension_numbers<[1], [0], [0], [1], [0, 0, 1, 1], [], []>, transpose_lhs_hint = false} : vector<10000x128xf32>, vector<128x128xf32>, vector<10000x128xf32> -> vector<10000x128xf32>
    %swap3A = arith.constant 0 : index
    %swap3A_47 = arith.constant 0 : index
    %swap3A_48 = vector.load %arg9[%swap3A, %swap3A_47] : memref<10000x128xf32, #tpu.memory_space<vmem>>, vector<10000x128xf32>
    tpu.vector_store %arg9[%swap3A, %swap3A_47], %dot_general3A_46 {strides = array<i32>} : memref<10000x128xf32, #tpu.memory_space<vmem>>, vector<10000x128xf32>,
    %get3A_49 = arith.constant 0 : index
    %get3A_50 = arith.constant 0 : index
    %get3A_51 = vector.load %arg7[%get3A_49, %get3A_50] : memref<128x128xf32, #tpu.memory_space<vmem>>, vector<128x128xf32>
    %dot_general3A_52 = arith.constant dense<0.000000e+00> : vector<10000x128xf32>
    %dot_general3A_53 = tpu.matmul %max3A_42, %get3A_51, %dot_general3A_52 {dimension_numbers = #tpu.dot_dimension_numbers<[1], [0], [0], [1], [0, 0, 1, 1], [], []>, transpose_lhs_hint = false} : vector<10000x128xf32>, vector<128x128xf32>, vector<10000x128xf32> -> vector<10000x128xf32>
    %get3A_54 = arith.constant 0 : index
    %get3A_55 = arith.constant 0 : index
    %get3A_56 = vector.load %arg8[%get3A_54, %get3A_55] : memref<1x128xf32, #tpu.memory_space<vmem>>, vector<1x128xf32>
    %add3A_57 = vector.broadcast %get3A_56 : vector<1x128xf32> to vector<10000x128xf32>
    %add3A_58 = arith.addf %dot_general3A_53, %add3A_57 : vector<10000x128xf32>
    %swap3A_59 = arith.constant 0 : index
    %swap3A_60 = arith.constant 0 : index
    %swap3A_61 = vector.load %arg10[%swap3A_59, %swap3A_60] : memref<10000x128xf32, #tpu.memory_space<vmem>>, vector<10000x128xf32>
    tpu.vector_store %arg10[%swap3A_59, %swap3A_60], %add3A_58 {strides = array<i32>} : memref<10000x128xf32, #tpu.memory_space<vmem>>, vector<10000x128xf32>,
    return
  }
}

module attributes {stable_mosaic.version = 14 : i64} {
  func.func @_edge_mlp_body(%arg0: i32, %arg1: memref<2560x128xf32, #tpu.memory_space<vmem>>, %arg2: memref<2560x128xf32, #tpu.memory_space<vmem>>, %arg3: memref<2560x16xf32, #tpu.memory_space<vmem>>, %arg4: memref<16x128xf32, #tpu.memory_space<vmem>>, %arg5: memref<128x64xf32, #tpu.memory_space<vmem>>, %arg6: memref<1x64xf32, #tpu.memory_space<vmem>>, %arg7: memref<64x1xf32, #tpu.memory_space<vmem>>, %arg8: memref<1x1xf32, #tpu.memory_space<vmem>>, %arg9: memref<2560x1xf32, #tpu.memory_space<vmem>>) attributes {dimension_semantics = [#tpu.dimension_semantics<arbitrary>], iteration_bounds = array<i64: 125>, scalar_prefetch = 0 : i64, scratch_operands = 0 : i64, tpu.core_type = #tpu.core_type<tc>, window_params = [{transform_indices = @transform_0, window_bounds = array<i64: 2560, 128>}, {transform_indices = @transform_1, window_bounds = array<i64: 2560, 128>}, {transform_indices = @transform_2, window_bounds = array<i64: 2560, 16>}, {pipeline_mode = #tpu.pipeline_mode<synchronous>, transform_indices = @transform_3, window_bounds = array<i64: 16, 128>}, {pipeline_mode = #tpu.pipeline_mode<synchronous>, transform_indices = @transform_4, window_bounds = array<i64: 128, 64>}, {pipeline_mode = #tpu.pipeline_mode<synchronous>, transform_indices = @transform_5, window_bounds = array<i64: 1, 64>}, {pipeline_mode = #tpu.pipeline_mode<synchronous>, transform_indices = @transform_6, window_bounds = array<i64: 64, 1>}, {pipeline_mode = #tpu.pipeline_mode<synchronous>, transform_indices = @transform_7, window_bounds = array<i64: 1, 1>}, {transform_indices = @transform_8, window_bounds = array<i64: 2560, 1>}]} {
    %get3A = arith.constant 0 : index
    %get3A_0 = arith.constant 0 : index
    %get3A_1 = vector.load %arg1[%get3A, %get3A_0] : memref<2560x128xf32, #tpu.memory_space<vmem>>, vector<2560x128xf32>
    %get3A_2 = arith.constant 0 : index
    %get3A_3 = arith.constant 0 : index
    %get3A_4 = vector.load %arg2[%get3A_2, %get3A_3] : memref<2560x128xf32, #tpu.memory_space<vmem>>, vector<2560x128xf32>
    %add3A = arith.addf %get3A_1, %get3A_4 : vector<2560x128xf32>
    %get3A_5 = arith.constant 0 : index
    %get3A_6 = arith.constant 0 : index
    %get3A_7 = vector.load %arg3[%get3A_5, %get3A_6] : memref<2560x16xf32, #tpu.memory_space<vmem>>, vector<2560x16xf32>
    %get3A_8 = arith.constant 0 : index
    %get3A_9 = arith.constant 0 : index
    %get3A_10 = vector.load %arg4[%get3A_8, %get3A_9] : memref<16x128xf32, #tpu.memory_space<vmem>>, vector<16x128xf32>
    %dot_general3A = arith.constant dense<0.000000e+00> : vector<2560x128xf32>
    %dot_general3A_11 = tpu.matmul %get3A_7, %get3A_10, %dot_general3A {dimension_numbers = #tpu.dot_dimension_numbers<[1], [0], [0], [1], [0, 0, 1, 1], [], []>, transpose_lhs_hint = false} : vector<2560x16xf32>, vector<16x128xf32>, vector<2560x128xf32> -> vector<2560x128xf32>
    %add3A_12 = arith.addf %add3A, %dot_general3A_11 : vector<2560x128xf32>
    %max3A = arith.constant 0.000000e+00 : f32
    %max3A_13 = vector.broadcast %max3A : f32 to vector<2560x128xf32>
    %max3A_14 = arith.maximumf %add3A_12, %max3A_13 : vector<2560x128xf32>
    %get3A_15 = arith.constant 0 : index
    %get3A_16 = arith.constant 0 : index
    %get3A_17 = vector.load %arg5[%get3A_15, %get3A_16] : memref<128x64xf32, #tpu.memory_space<vmem>>, vector<128x64xf32>
    %dot_general3A_18 = arith.constant dense<0.000000e+00> : vector<2560x64xf32>
    %dot_general3A_19 = tpu.matmul %max3A_14, %get3A_17, %dot_general3A_18 {dimension_numbers = #tpu.dot_dimension_numbers<[1], [0], [0], [1], [0, 0, 1, 1], [], []>, transpose_lhs_hint = false} : vector<2560x128xf32>, vector<128x64xf32>, vector<2560x64xf32> -> vector<2560x64xf32>
    %get3A_20 = arith.constant 0 : index
    %get3A_21 = arith.constant 0 : index
    %get3A_22 = vector.load %arg6[%get3A_20, %get3A_21] : memref<1x64xf32, #tpu.memory_space<vmem>>, vector<1x64xf32>
    %add3A_23 = vector.broadcast %get3A_22 : vector<1x64xf32> to vector<2560x64xf32>
    %add3A_24 = arith.addf %dot_general3A_19, %add3A_23 : vector<2560x64xf32>
    %max3A_25 = arith.constant 0.000000e+00 : f32
    %max3A_26 = vector.broadcast %max3A_25 : f32 to vector<2560x64xf32>
    %max3A_27 = arith.maximumf %add3A_24, %max3A_26 : vector<2560x64xf32>
    %get3A_28 = arith.constant 0 : index
    %get3A_29 = arith.constant 0 : index
    %get3A_30 = vector.load %arg7[%get3A_28, %get3A_29] : memref<64x1xf32, #tpu.memory_space<vmem>>, vector<64x1xf32>
    %dot_general3A_31 = arith.constant dense<0.000000e+00> : vector<2560x1xf32>
    %dot_general3A_32 = tpu.matmul %max3A_27, %get3A_30, %dot_general3A_31 {dimension_numbers = #tpu.dot_dimension_numbers<[1], [0], [0], [1], [0, 0, 1, 1], [], []>, transpose_lhs_hint = false} : vector<2560x64xf32>, vector<64x1xf32>, vector<2560x1xf32> -> vector<2560x1xf32>
    %get3A_33 = arith.constant 0 : index
    %get3A_34 = arith.constant 0 : index
    %get3A_35 = vector.load %arg8[%get3A_33, %get3A_34] : memref<1x1xf32, #tpu.memory_space<vmem>>, vector<1x1xf32>
    %add3A_36 = vector.broadcast %get3A_35 : vector<1x1xf32> to vector<2560x1xf32>
    %add3A_37 = arith.addf %dot_general3A_32, %add3A_36 : vector<2560x1xf32>
    %swap3A = arith.constant 0 : index
    %swap3A_38 = arith.constant 0 : index
    %swap3A_39 = vector.load %arg9[%swap3A, %swap3A_38] : memref<2560x1xf32, #tpu.memory_space<vmem>>, vector<2560x1xf32>
    tpu.vector_store %arg9[%swap3A, %swap3A_38], %add3A_37 {strides = array<i32>} : memref<2560x1xf32, #tpu.memory_space<vmem>>, vector<2560x1xf32>,
    return
  }
  func.func @transform_0(%arg0: i32) -> (i32, i32) {
    %c0_i32 = arith.constant 0 : i32
    %c0_i32_0 = arith.constant 0 : i32
    return %arg0, %c0_i32 : i32, i32
  }
  func.func @transform_1(%arg0: i32) -> (i32, i32) {
    %c0_i32 = arith.constant 0 : i32
    %c0_i32_0 = arith.constant 0 : i32
    return %arg0, %c0_i32 : i32, i32
  }
  func.func @transform_2(%arg0: i32) -> (i32, i32) {
    %c0_i32 = arith.constant 0 : i32
    %c0_i32_0 = arith.constant 0 : i32
    return %arg0, %c0_i32 : i32, i32
  }
  func.func @transform_3(%arg0: i32) -> (i32, i32) {
    %c0_i32 = arith.constant 0 : i32
    %c0_i32_0 = arith.constant 0 : i32
    %c0_i32_1 = arith.constant 0 : i32
    return %c0_i32, %c0_i32_0 : i32, i32
  }
  func.func @transform_4(%arg0: i32) -> (i32, i32) {
    %c0_i32 = arith.constant 0 : i32
    %c0_i32_0 = arith.constant 0 : i32
    %c0_i32_1 = arith.constant 0 : i32
    return %c0_i32, %c0_i32_0 : i32, i32
  }
  func.func @transform_5(%arg0: i32) -> (i32, i32) {
    %c0_i32 = arith.constant 0 : i32
    %c0_i32_0 = arith.constant 0 : i32
    %c0_i32_1 = arith.constant 0 : i32
    return %c0_i32, %c0_i32_0 : i32, i32
  }
  func.func @transform_6(%arg0: i32) -> (i32, i32) {
    %c0_i32 = arith.constant 0 : i32
    %c0_i32_0 = arith.constant 0 : i32
    %c0_i32_1 = arith.constant 0 : i32
    return %c0_i32, %c0_i32_0 : i32, i32
  }
  func.func @transform_7(%arg0: i32) -> (i32, i32) {
    %c0_i32 = arith.constant 0 : i32
    %c0_i32_0 = arith.constant 0 : i32
    %c0_i32_1 = arith.constant 0 : i32
    return %c0_i32, %c0_i32_0 : i32, i32
  }
  func.func @transform_8(%arg0: i32) -> (i32, i32) {
    %c0_i32 = arith.constant 0 : i32
    %c0_i32_0 = arith.constant 0 : i32
    return %arg0, %c0_i32 : i32, i32
  }
}

</mosaic_0001>

<sc_bundles>
// kernel: kernel.12.cloned.1.call-start
scs
__scs_entry_jumppad:
0x0: {  	(pc) =	sbr.rel $0x88, $3  }
0x1: {  	(tag) =	ssettag $0x0;
	lr =	simm.s32 $0x1  }
0x2: {  	[smem:$0x3F8E] =	sst lr;
	_ =	strace $0xD0000000  }
0x3: {  	_ = 	snop  }
0x4: {  	_ = 	snop  }
0x5: {  	_ = 	snop  }
0x6: {  	_ = 	snop  }
0x7: {  	_ = 	snop  }
__scs_overlays_trampoline_lowered:
0x8: {  	[smem:$0x3F9D] =	sst s0  }
0x9: {  	[smem:$0x3F9E] =	sst s1  }
0xa: {  	[smem:$0x3F9F] =	sst s2  }
0xb: {  	[smem:$0x3FA0] =	sst s3  }
0xc: {  	[smem:$0x3FA1] =	sst s4  }
0xd: {  	[smem:$0x3FA2] =	sst s5  }
0xe: {  	[smem:$0x3FA3] =	sst s6  }
0xf: {  	[smem:$0x3FA4] =	sst s7  }
0x10: {  	[smem:$0x3FA5] =	sst s8  }
0x11: {  	[smem:$0x3FA6] =	sst s9;
	s0 =	simm.s32 @!p0 $0x0  }
0x12: {  	s1 =	sld [smem:$0x3F8C];
	s0 =	simm.s32 @p0 $0x1  }
0x13: {  	[smem:$0x3FA7] =	sst s0;
	s0 =	simm.s32 @!p1 $0x0  }
0x14: {  	s2 =	sld [smem:$0x3F8B];
	s0 =	simm.s32 @p1 $0x1  }
0x15: {  	[smem:$0x3FA8] =	sst s0;
	s0 =	simm.s32 @!p2 $0x0  }
0x16: {  	s3 =	sld [smem:$0x3FDB];
	s0 =	simm.s32 @p2 $0x1  }
0x17: {  	s4 =	simm.s32 $0x1BF5;
	[smem:$0x3FAA] =	sst s0  }
0x18: {  	s0 =	sld [smem:$0x3F8D];
	_ =	swait.ge [sflag:s4], $0x0  }
0x19: {  	s7 =	sld [smem:$0x3F8E]  }
0x1a: {  	s8 =	sadd.s32 $0xFFFFE003, lr  }
0x1b: {  	s9 =	sadd.s32 $0xFFFFFEF7, lr;
	s5 =	simm.s32 $0xFFFFFFFF;
	p2 =	slt.u32 s8, $0xFFFFF086  }
0x1c: {  	p1 =	slt.u32 s9, $0xF7A;
	s5 =	simm.s32 @!p2 $0x0  }
0x1d: {  	s5 =	simm.s32 @p1 $0x1;
	p0 =	seq.s32 s7, s2  }
0x1e: {  	s7 =	smul.u32 @!p0 $0xF7A, s2;
	p2 =	seq.s32 @!p0 s5, $0x0  }
0x1f: {  	s9 =	smul.u32 $0xF7A, s1;
	s8 =	simm.s32 @!p0 $0x1BF5;
	p2 =	por !p2, p0  }
0x20: {  	[sflag:s8] =	ssyncset.s32 @!p0 $0xFFFFF086;
	s6 =	sadd.s32 @!p0 s3, s7;
	s7 =	simm.s32 @!p0 $0x108  }
0x21: {  	s3 =	sadd.s32 s3, s9;
	s6 =	sadd.s32 @!p0 $0x88, s6;
	s7 =	simm.s32 @p2 $0x1082  }
0x22: {  	[simem:s7], [sflag:s8] =	dma.local @!p0 [hbm:s6], $0xF7A  }
0x23: {  	s9 =	sor.u32 $0xD0000000, s2;
	s6 =	simm.s32 $0x108;
	_ =	swait.ge @!p0 [sflag:s8], $0x0  }
0x24: {  	s3 =	sadd.s32 $0x88, s3;
	s6 =	simm.s32 @!p1 $0x1082;
	[sflag:s4] =	ssyncset.s32 $0xFFFFF086  }
0x25: {  	[simem:s6], [sflag:s4] =	dma.local [hbm:s3], $0xF7A  }
0x26: {  	[smem:$0x3F8E] =	sst s1;
	(tag) =	ssettag s2;
	_ =	strace s9  }
0x27: {  	s1 =	sld [smem:$0x3F9E]  }
0x28: {  	s2 =	sld [smem:$0x3F9F]  }
0x29: {  	s4 =	sld [smem:$0x3FA1]  }
0x2a: {  	p0 =	seq.s32 s5, $0x0;
	s5 =	sld [smem:$0x3FA2]  }
0x2b: {  	s6 =	sld [smem:$0x3FA3]  }
0x2c: {  	s7 =	sld [smem:$0x3FA4]  }
0x2d: {  	s3 =	simm.s32 $0x108;
	s8 =	sld [smem:$0x3FA5]  }
0x2e: {  	s3 =	simm.s32 @!p0 $0x1082;
	s9 =	sld [smem:$0x3FA6]  }
0x2f: {  	lr =	sadd.s32 s0, s3;
	s0 =	sld [smem:$0x3F9D]  }
0x30: {  	s3 =	sld [smem:$0x3FA0]  }
0x31: {  	[smem:$0x3FA9] =	sst s10  }
0x32: {  	s10 =	sld [smem:$0x3FA7];
	_ =	sdelay $0x3  }
0x33: {  	p0 =	seq.s32 s10, $0x1;
	s10 =	sld [smem:$0x3FA9];
	_ =	sdelay $0x3  }
0x34: {  	[smem:$0x3FA9] =	sst s10  }
0x35: {  	s10 =	sld [smem:$0x3FA8];
	_ =	sdelay $0x3  }
0x36: {  	p1 =	seq.s32 s10, $0x1;
	s10 =	sld [smem:$0x3FA9];
	_ =	sdelay $0x3  }
0x37: {  	[smem:$0x3FA9] =	sst s10  }
0x38: {  	s10 =	sld [smem:$0x3FAA]  }
0x39: {  	_ = 	snop;
	(pc) =	sbr.ind lr, $3  }
0x3a: {  	_ = 	snop  }
0x3b: {  	_ = 	snop  }
0x3c: {  	p2 =	seq.s32 s10, $0x1;
	s10 =	sld [smem:$0x3FA9]  }
0x3d: {  	_ =	shalt  }
0x3e: {  	_ =	shalt  }
0x3f: {  	_ =	shalt  }
0x40: {  	_ =	shalt  }
0x41: {  	_ =	shalt  }
0x42: {  	_ =	shalt  }
0x43: {  	_ =	shalt  }
0x44: {  	_ =	shalt  }
0x45: {  	_ =	shalt  }
0x46: {  	_ =	shalt  }
0x47: {  	_ =	shalt  }
0x48: {  	_ =	shalt  }
0x49: {  	_ =	shalt  }
0x4a: {  	_ =	shalt  }
0x4b: {  	_ =	shalt  }
0x4c: {  	_ =	shalt  }
0x4d: {  	_ =	shalt  }
0x4e: {  	_ =	shalt  }
0x4f: {  	_ =	shalt  }
0x50: {  	_ =	shalt  }
0x51: {  	_ =	shalt  }
0x52: {  	_ =	shalt  }
0x53: {  	_ =	shalt  }
0x54: {  	_ =	shalt  }
0x55: {  	_ =	shalt  }
0x56: {  	_ =	shalt  }
0x57: {  	_ =	shalt  }
0x58: {  	_ =	shalt  }
0x59: {  	_ =	shalt  }
0x5a: {  	_ =	shalt  }
0x5b: {  	_ =	shalt  }
0x5c: {  	_ =	shalt  }
0x5d: {  	_ =	shalt  }
0x5e: {  	_ =	shalt  }
0x5f: {  	_ =	shalt  }
0x60: {  	_ =	shalt  }
0x61: {  	_ =	shalt  }
0x62: {  	_ =	shalt  }
0x63: {  	_ =	shalt  }
0x64: {  	_ =	shalt  }
0x65: {  	_ =	shalt  }
0x66: {  	_ =	shalt  }
0x67: {  	_ =	shalt  }
0x68: {  	_ =	shalt  }
0x69: {  	_ =	shalt  }
0x6a: {  	_ =	shalt  }
0x6b: {  	_ =	shalt  }
0x6c: {  	_ =	shalt  }
0x6d: {  	_ =	shalt  }
0x6e: {  	_ =	shalt  }
0x6f: {  	_ =	shalt  }
0x70: {  	_ =	shalt  }
0x71: {  	_ =	shalt  }
0x72: {  	_ =	shalt  }
0x73: {  	_ =	shalt  }
0x74: {  	_ =	shalt  }
0x75: {  	_ =	shalt  }
0x76: {  	_ =	shalt  }
0x77: {  	_ =	shalt  }
0x78: {  	_ =	shalt  }
0x79: {  	_ =	shalt  }
0x7a: {  	_ =	shalt  }
0x7b: {  	_ =	shalt  }
0x7c: {  	_ =	shalt  }
0x7d: {  	_ =	shalt  }
0x7e: {  	_ =	shalt  }
0x7f: {  	_ =	shalt  }
0x80: {  	_ =	shalt  }
0x81: {  	_ =	shalt  }
0x82: {  	_ =	shalt  }
0x83: {  	_ =	shalt  }
0x84: {  	_ =	shalt  }
0x85: {  	_ =	shalt  }
0x86: {  	_ =	shalt  }
0x87: {  	_ =	shalt  }
.Lfunc_end0:
.L_simem_size_0:
called_computation.1_lowered:
.L_overlay_start_0:
0x88: {  	s2 =	sld [smem:$0x3FD9]  }
0x89: {  	s3 =	sld [smem:$0x3FFE];
	_ =	sdelay $0x1  }
0x8a: {  	s1 =	srdreg.scid  }
0x8b: {  	s0 =	sand.u32 $0x1, s1  }
0x8c: {  	s17 =	sshll.u32 s0, $0xA;
	s2 =	sadd.s32 s3, s2  }
0x8d: {  	s2 =	sadd.s32 s2, s17  }
0x8e: {  	[smem:$0x3FB5] =	sst s2  }
0x8f: {  	_ = 	snop  }
0x90: {  	s2 =	sld [smem:$0x3FD0];
	(tm) =	ssettm $0x1  }
0x91: {  	s18 =	sld [smem:$0x3FFB];
	_ =	sdelay $0x3  }
0x92: {  	_ =	strace s18  }
0x93: {  	s3 =	sld [smem:$0x3FFC];
	_ =	sdelay $0x3  }
0x94: {  	_ =	strace s3  }
0x95: {  	s3 =	sld [smem:$0x3FFD];
	_ =	sdelay $0x3  }
0x96: {  	_ =	strace s3  }
0x97: {  	_ =	strace $0x8FFFFFFF  }
0x98: {  	s19 =	sld [smem:$0x3FDB];
	_ =	sdelay $0x1  }
0x99: {  	s4 =	simm.s32 $_scs_section_size  }
0x9a: {  	s5 =	simm.s32 $_size__tile_overlayer_lowered;
	s6 =	simm.s32 $_tile_overlayer_lowered  }
0x9b: {  	s22 =	simm.s32 $0x1BFF;
	s21 =	sshll.u32 s6, $0x1;
	s3 =	sadd.s32 s4, s19  }
0x9c: {  	s7 =	simm.s32 $0x0;
	s20 =	sshll.u32 s5, $0x1;
	s5 =	sadd.s32 s21, s3  }
0x9d: {  	[timem:s7], [sflag:s22] =	dma.local [hbm:s5], s20  }
0x9e: {  	_ =	swait.ge [sflag:s22], s20  }
0x9f: {  	s4 =	ssub.s32 $0x0, s20;
	[sflag:s22] =	ssyncset.done $0x0  }
0xa0: {  	[sflag:s22] =	ssyncadd.s32 s4;
	_ =	sdelay $0x1  }
0xa1: {  	s23 =	simm.s32 $0x1B8B  }
0xa2: {  	_ =	swait.ge [sflag:s23], $0x1  }
0xa3: {  	[sflag:s23] =	ssyncset.done $0x0  }
0xa4: {  	s25 =	simm.s32 $0x1B8E;
	s24 =	sld [smem:$0x3FFE];
	[sflag:s23] =	ssyncadd.s32 $0xFFFFFFFF  }
0xa5: {  	s26 =	simm.s32 $execute0_lowered;
	[smem:$0x3FD2] =	sst s25  }
0xa6: {  	s5 =	sshll.u32 s26, $0x1;
	_ =	strace $0x80000049;
	[dreg:$0x1] =	wrdreg $0xFFFFFFFF  }
0xa7: {  	s28 =	simm.s32 $_size_execute0_lowered;
	s3 =	sadd.s32 s3, s5;
	[dreg:$0x0] =	wrdreg $0x0  }
0xa8: {  	s5 =	sshll.u32 s28, $0x1;
	[dreg:$0x2] =	wrdreg s3  }
0xa9: {  	[dreg:$0x3] =	wrdreg s5  }
0xaa: {  	[dreg:$0x4] =	wrdreg $0xC0  }
0xab: {  	_ =	task [dreg:s7], $0x5FFFF  }
0xac: {  	[dreg:$0x1] =	wrdreg $0xFFFFFFFF  }
0xad: {  	[dreg:$0x0] =	wrdreg $0x60  }
0xae: {  	[dreg:$0x2] =	wrdreg s24  }
0xaf: {  	[dreg:$0x3] =	wrdreg s2  }
0xb0: {  	[dreg:$0x4] =	wrdreg $0x90000  }
0xb1: {  	[dreg:$0x5] =	wrdreg $0x9  }
0xb2: {  	_ =	task.clear_ibuf [dreg:s7], $0x6FFFF;
	_ =	strace $0x90000049  }
0xb3: {  	s29 =	simm.s32 $0x9;
	_ =	strace $0x8000004B  }
0xb4: {  	_ =	swait.ge [sflag:s29], $0x1  }
0xb5: {  	[sflag:s29] =	ssyncadd.s32 $0xFFFFFFFF  }
0xb6: {  	_ =	strace $0x9000004B  }
0xb7: {  	_ =	sfence  }
0xb8: {  	s30 =	sld [smem:$0x0];
	_ =	sdelay $0x2  }
0xb9: {  	s31 =	sshll.u32 s1, $0xD;
	s1 =	sshrl.u32 s1, $0x2  }
0xba: {  	s3 =	sand.u32 $0x4000, s31;
	s1 =	sadd.s32 s1, s30  }
0xbb: {  	s0 =	sor.u32 s3, s0;
	s1 =	sshll.u32 s1, $0x11  }
0xbc: {  	s0 =	sor.u32 s1, s0  }
0xbd: {  	s0 =	sadd.s32 $0x8F2B, s0  }
0xbe: {  	[sflag:s0] =	ssyncadd.remote.s32 $0x1  }
0xbf: {  	_ =	sfence.sel $0xFFFF  }
0xc0: {  	[dreg:$0x0] =	wrdreg $0xFFFFFFFF;
	(pc) =	sbr.abs _section_cstart, $3  }
0xc1: {  	[dreg:$0x1] =	wrdreg $0xFFFFFFFF  }
0xc2: {  	_ =	task.clear_ibuf [dreg:s7], $0x2FFFF;
	_ =	strace $0x9FFFFFFF  }
0xc3: {  	(tm) =	ssettm $0x7FFFFFFF  }
tec
execute0_lowered:
.L_overlay_start_1:
0x0: {  	(tag) =	ssettag $0x1  }
0x1: {  	s6 =	rddreg [dreg:$0x0]  }
0x2: {  	s1 =	rddreg [dreg:$0x1]  }
0x3: {  	s2 =	rddreg [dreg:$0x2]  }
0x4: {  	s3 =	srdreg.scid;
	s0 =	rddreg [dreg:$0x3]  }
0x5: {  	s4 =	simm.s32 $0x0;
	s14 =	simm.s32 $0x80;
	s7 =	sand.u32 $0x1, s3  }
0x6: {  	s15 =	simm.s32 $0x5000;
	s3 =	stileid.u32;
	s8 =	smul.u32 $0x13C000, s7  }
0x7: {  	s16 =	simm.s32 $0x0;
	[smem:$0x7FF] =	sst s4;
	s9 =	smul.u32 $0x13C00, s3  }
0x8: {  	s5 =	sshll.u32 s3, $0x1;
	_ =	strace $0x8000004A;
	s28 =	smul.u32 $0x4F000, s3  }
0x9: {  	s31 =	sshll.u32 s3, $0x6;
	s10 =	sor.u32 s7, s5;
	s5 =	sadd.s32 $0x18800, s6  }
0xa: {  	s7 =	ssub.s32 $0x2, s7;
	s10 =	smul.u32 $0x500, s10;
	s8 =	sadd.s32 s9, s8  }
0xb: {  	s29 =	sshrl.u32 s7, $0x1;
	s30 =	sshrl.u32 s28, $0x2;
	s8 =	sshrl.u32 s8, $0x3  }
0xc: {  	s12 =	ssub.s32 s7, s29;
	s13 =	sadd.s32 s30, s2;
	s10 =	sadd.s32 s10, s6  }
0xd: {  	s11 =	sadd.s32 s8, s6;
	s6 =	sor.u32 $0x1C01, s31;
	s7 =	sadd.s32 $0x4800, s10  }
0xe: {  	s8 =	sadd.s32 $0xE800, s10;
	s9 =	sadd.s32 $0x40800, s11;
	s10 =	smax.u32 s12, $0x1  }
0xf: {  	s11 =	sshrl.u32 s13, $0x3;
	s12 =	simm.s32 $0x1;
	s13 =	simm.s32 $0x2800  }
.LBB2_1:
0x10: {  	[spmem:s11], [sflag:s6] =	dma.local [hbm:s1], $0x2780  }
0x11: {  	_ =	swait.ge [sflag:s12], $0x2780  }
0x12: {  	[sflag:s12] =	ssyncset.done $0x0  }
0x13: {  	[sflag:s12] =	ssyncadd.s32 $0xFFFFD880  }
0x14: {  	[tilespmem:s4], [sflag:$0x1] =	stream.linear.gather [hbm4b:s7+s4], $0x2780, $0x38;
	[tilespmem:$0x1CC00] =	vst v63  }
0x15: {  	_ =	swait.ge [sflag:s12], $0x2780  }
0x16: {  	[sflag:s12] =	ssyncset.done $0x0  }
0x17: {  	[sflag:s12] =	ssyncadd.s32 $0xFFFFD880  }
0x18: {  	[tilespmem:s13], [sflag:$0x1] =	stream.linear.gather [hbm4b:s8+s4], $0x2780, $0x38;
	[tilespmem:$0x1CC00] =	vst v63  }
0x19: {  	_ =	swait.ge [sflag:s12], $0x2780  }
0x1a: {  	[sflag:s12] =	ssyncset.done $0x0  }
0x1b: {  	[sflag:s12] =	ssyncadd.s32 $0xFFFFD880  }
0x1c: {  	s17 =	simm.s32 $0x0;
	[bflag:$0x0] =	sbarrier.arrive $0xFFFF  }
0x1d: {  	[tilespmem:s15], [sflag:$0x1] =	stream.indirect.gather [hbm4b:s5+s14], $0x80, s17, s14, $0xb8;
	[tilespmem:$0x1CC00] =	vst v63  }
0x1e: {  	_ =	swait.ge [sflag:s12], $0x4000  }
0x1f: {  	[sflag:s12] =	ssyncset.done $0x0  }
0x20: {  	s31 =	simm.s32 $0x2800;
	[sflag:s12] =	ssyncadd.s32 $0xFFFFC000  }
0x21: {  	[spmem:s2] =	stream.indirect.scatter.add.f32 [tilespmem:s15], [sflag:$0x1], $0x80, s31, s14, $0xb8;
	[tilespmem:$0x1CC00] =	vst v63  }
0x22: {  	_ =	swait.ge [sflag:s12], $0x4000  }
0x23: {  	s18 =	simm.s32 $0x400;
	s17 =	simm.s32 $0x200;
	[sflag:s12] =	ssyncset.done $0x0  }
.LBB2_2:
0x24: {  	s19 =	sshra.s32 s17, $0x2  }
0x25: {  	[sflag:s12] =	ssyncadd.s32 $0xFFFFC000;
	s17 =	smov.u32 s18;
	s20 =	sadd.s32 $0x200, s18  }
0x26: {  	[tilespmem:s15], [sflag:$0x1] =	stream.indirect.gather [hbm4b:s5+s14], $0x80, s19, s14, $0xb8;
	[tilespmem:$0x1CC00] =	vst v63  }
0x27: {  	p0 =	sne.s32 s18, $0x9C00;
	_ =	swait.ge [sflag:s12], $0x4000  }
.Ltmp0:
0x28: {  	[sflag:s12] =	ssyncset.done $0x0;
	(pc) =	sbr.rel @p0 .LBB2_2-.Ltmp0, $4  }
0x29: {  	s18 =	sadd.s32 $0x2800, s19;
	[sflag:s12] =	ssyncadd.s32 $0xFFFFC000  }
0x2a: {  	[spmem:s2] =	stream.indirect.scatter.add.f32 [tilespmem:s15], [sflag:$0x1], $0x80, s18, s14, $0xb8;
	[tilespmem:$0x1CC00] =	vst v63  }
0x2b: {  	_ =	swait.ge [sflag:s12], $0x4000  }
0x2c: {  	s18 =	smov.u32 s20;
	[sflag:s12] =	ssyncset.done $0x0  }
0x2d: {  	s17 =	sshra.s32 s17, $0x2;
	[sflag:s12] =	ssyncadd.s32 $0xFFFFC000  }
0x2e: {  	[tilespmem:s15], [sflag:$0x1] =	stream.indirect.gather [hbm4b:s5+s14], $0x80, s17, s14, $0xb8;
	[tilespmem:$0x1CC00] =	vst v63  }
0x2f: {  	_ =	swait.ge [sflag:s12], $0x4000  }
0x30: {  	[sflag:s12] =	ssyncset.done $0x0  }
0x31: {  	s17 =	sadd.s32 $0x2800, s17;
	[sflag:s12] =	ssyncadd.s32 $0xFFFFC000  }
0x32: {  	[spmem:s2] =	stream.indirect.scatter.add.f32 [tilespmem:s15], [sflag:$0x1], $0x80, s17, s14, $0xb8;
	[tilespmem:$0x1CC00] =	vst v63  }
0x33: {  	_ =	swait.ge [sflag:s12], $0x4000  }
0x34: {  	s16 =	sadd.s32 $0x1, s16;
	[sflag:s12] =	ssyncset.done $0x0  }
0x35: {  	p0 =	sne.s32 s16, s10;
	[sflag:s12] =	ssyncadd.s32 $0xFFFFC000  }
.Ltmp1:
0x36: {  	[bflag:$0x0] =	sbarrier.arrive $0xFFFF;
	(pc) =	sbr.rel @p0 .LBB2_1-.Ltmp1, $4  }
0x37: {  	[hbm:s9], [sflag:s6] =	dma.local [spmem:s11], $0x2780  }
0x38: {  	_ =	swait.ge [sflag:s12], $0x2780  }
0x39: {  	[sflag:s12] =	ssyncset.done $0x0  }
0x3a: {  	[sflag:s12] =	ssyncadd.s32 $0xFFFFD880  }
0x3b: {  	_ =	sfence.sel $0x180000  }
0x3c: {  	[bflag:$0x0] =	sbarrier.arrive $0xFFFF  }
0x3d: {  	p0 =	sne.s32 s3, $0x0;
	_ =	strace $0x9000004A  }
0x3e: {  	s0 =	sadd.s32 @!p0 $0x100000, s0;
	[bflag:$0x2] =	sbarrier.arrive $0xFFFF  }
0x3f: {  	[sflag:s0] =	ssyncadd.tile.s32 @!p0 $0x1;
	_ =	shalt  }
.Lfunc_end2:
_tile_overlayer_lowered:
.L_overlay_start_2:
0x40: {  	(tag) =	ssettag $0x2  }
0x41: {  	s0 =	rddreg [dreg:$0x0];
	s2 =	stileid.u32  }
0x42: {  	s1 =	rddreg [dreg:$0x1];
	p0 =	sne.s32 s2, $0x0  }
0x43: {  	s3 =	rddreg [dreg:$0x2];
	[bflag:$0x3] =	sbarrier.arrive $0xFFFF;
	s2 =	simm.s32 @!p0 $0x1C01  }
0x44: {  	[timem:s3], [sflag:s2] =	dma.local @!p0 [hbm:s0], s1  }
0x45: {  	s0 =	simm.s32 @!p0 $0x1  }
0x46: {  	_ =	swait.ge @!p0 [sflag:s0], s1  }
0x47: {  	s1 =	ssub.s32 @!p0 $0x0, s1;
	[sflag:s0] =	ssyncset.done @!p0 $0x0  }
0x48: {  	[sflag:s0] =	ssyncadd.s32 @!p0 s1  }
0x49: {  	[bflag:$0x3] =	sbarrier.arrive $0xFFFF  }
0x4a: {  	_ =	shalt  }

// kernel: kernel.15.cloned.1.call-start
scs
__scs_entry_jumppad:
0x0: {  	(pc) =	sbr.rel $0x88, $3  }
0x1: {  	(tag) =	ssettag $0x0;
	lr =	simm.s32 $0x1  }
0x2: {  	[smem:$0x3F8E] =	sst lr;
	_ =	strace $0xD0000000  }
0x3: {  	_ = 	snop  }
0x4: {  	_ = 	snop  }
0x5: {  	_ = 	snop  }
0x6: {  	_ = 	snop  }
0x7: {  	_ = 	snop  }
__scs_overlays_trampoline_lowered:
0x8: {  	[smem:$0x3F9D] =	sst s0  }
0x9: {  	[smem:$0x3F9E] =	sst s1  }
0xa: {  	[smem:$0x3F9F] =	sst s2  }
0xb: {  	[smem:$0x3FA0] =	sst s3  }
0xc: {  	[smem:$0x3FA1] =	sst s4  }
0xd: {  	[smem:$0x3FA2] =	sst s5  }
0xe: {  	[smem:$0x3FA3] =	sst s6  }
0xf: {  	[smem:$0x3FA4] =	sst s7  }
0x10: {  	[smem:$0x3FA5] =	sst s8  }
0x11: {  	[smem:$0x3FA6] =	sst s9;
	s0 =	simm.s32 @!p0 $0x0  }
0x12: {  	s1 =	sld [smem:$0x3F8C];
	s0 =	simm.s32 @p0 $0x1  }
0x13: {  	[smem:$0x3FA7] =	sst s0;
	s0 =	simm.s32 @!p1 $0x0  }
0x14: {  	s2 =	sld [smem:$0x3F8B];
	s0 =	simm.s32 @p1 $0x1  }
0x15: {  	[smem:$0x3FA8] =	sst s0;
	s0 =	simm.s32 @!p2 $0x0  }
0x16: {  	s3 =	sld [smem:$0x3FDB];
	s0 =	simm.s32 @p2 $0x1  }
0x17: {  	s4 =	simm.s32 $0x1BF5;
	[smem:$0x3FAA] =	sst s0  }
0x18: {  	s0 =	sld [smem:$0x3F8D];
	_ =	swait.ge [sflag:s4], $0x0  }
0x19: {  	s7 =	sld [smem:$0x3F8E]  }
0x1a: {  	s8 =	sadd.s32 $0xFFFFE003, lr  }
0x1b: {  	s9 =	sadd.s32 $0xFFFFFEF7, lr;
	s5 =	simm.s32 $0xFFFFFFFF;
	p2 =	slt.u32 s8, $0xFFFFF086  }
0x1c: {  	p1 =	slt.u32 s9, $0xF7A;
	s5 =	simm.s32 @!p2 $0x0  }
0x1d: {  	s5 =	simm.s32 @p1 $0x1;
	p0 =	seq.s32 s7, s2  }
0x1e: {  	s7 =	smul.u32 @!p0 $0xF7A, s2;
	p2 =	seq.s32 @!p0 s5, $0x0  }
0x1f: {  	s9 =	smul.u32 $0xF7A, s1;
	s8 =	simm.s32 @!p0 $0x1BF5;
	p2 =	por !p2, p0  }
0x20: {  	[sflag:s8] =	ssyncset.s32 @!p0 $0xFFFFF086;
	s6 =	sadd.s32 @!p0 s3, s7;
	s7 =	simm.s32 @!p0 $0x108  }
0x21: {  	s3 =	sadd.s32 s3, s9;
	s6 =	sadd.s32 @!p0 $0x88, s6;
	s7 =	simm.s32 @p2 $0x1082  }
0x22: {  	[simem:s7], [sflag:s8] =	dma.local @!p0 [hbm:s6], $0xF7A  }
0x23: {  	s9 =	sor.u32 $0xD0000000, s2;
	s6 =	simm.s32 $0x108;
	_ =	swait.ge @!p0 [sflag:s8], $0x0  }
0x24: {  	s3 =	sadd.s32 $0x88, s3;
	s6 =	simm.s32 @!p1 $0x1082;
	[sflag:s4] =	ssyncset.s32 $0xFFFFF086  }
0x25: {  	[simem:s6], [sflag:s4] =	dma.local [hbm:s3], $0xF7A  }
0x26: {  	[smem:$0x3F8E] =	sst s1;
	(tag) =	ssettag s2;
	_ =	strace s9  }
0x27: {  	s1 =	sld [smem:$0x3F9E]  }
0x28: {  	s2 =	sld [smem:$0x3F9F]  }
0x29: {  	s4 =	sld [smem:$0x3FA1]  }
0x2a: {  	p0 =	seq.s32 s5, $0x0;
	s5 =	sld [smem:$0x3FA2]  }
0x2b: {  	s6 =	sld [smem:$0x3FA3]  }
0x2c: {  	s7 =	sld [smem:$0x3FA4]  }
0x2d: {  	s3 =	simm.s32 $0x108;
	s8 =	sld [smem:$0x3FA5]  }
0x2e: {  	s3 =	simm.s32 @!p0 $0x1082;
	s9 =	sld [smem:$0x3FA6]  }
0x2f: {  	lr =	sadd.s32 s0, s3;
	s0 =	sld [smem:$0x3F9D]  }
0x30: {  	s3 =	sld [smem:$0x3FA0]  }
0x31: {  	[smem:$0x3FA9] =	sst s10  }
0x32: {  	s10 =	sld [smem:$0x3FA7];
	_ =	sdelay $0x3  }
0x33: {  	p0 =	seq.s32 s10, $0x1;
	s10 =	sld [smem:$0x3FA9];
	_ =	sdelay $0x3  }
0x34: {  	[smem:$0x3FA9] =	sst s10  }
0x35: {  	s10 =	sld [smem:$0x3FA8];
	_ =	sdelay $0x3  }
0x36: {  	p1 =	seq.s32 s10, $0x1;
	s10 =	sld [smem:$0x3FA9];
	_ =	sdelay $0x3  }
0x37: {  	[smem:$0x3FA9] =	sst s10  }
0x38: {  	s10 =	sld [smem:$0x3FAA]  }
0x39: {  	_ = 	snop;
	(pc) =	sbr.ind lr, $3  }
0x3a: {  	_ = 	snop  }
0x3b: {  	_ = 	snop  }
0x3c: {  	p2 =	seq.s32 s10, $0x1;
	s10 =	sld [smem:$0x3FA9]  }
0x3d: {  	_ =	shalt  }
0x3e: {  	_ =	shalt  }
0x3f: {  	_ =	shalt  }
0x40: {  	_ =	shalt  }
0x41: {  	_ =	shalt  }
0x42: {  	_ =	shalt  }
0x43: {  	_ =	shalt  }
0x44: {  	_ =	shalt  }
0x45: {  	_ =	shalt  }
0x46: {  	_ =	shalt  }
0x47: {  	_ =	shalt  }
0x48: {  	_ =	shalt  }
0x49: {  	_ =	shalt  }
0x4a: {  	_ =	shalt  }
0x4b: {  	_ =	shalt  }
0x4c: {  	_ =	shalt  }
0x4d: {  	_ =	shalt  }
0x4e: {  	_ =	shalt  }
0x4f: {  	_ =	shalt  }
0x50: {  	_ =	shalt  }
0x51: {  	_ =	shalt  }
0x52: {  	_ =	shalt  }
0x53: {  	_ =	shalt  }
0x54: {  	_ =	shalt  }
0x55: {  	_ =	shalt  }
0x56: {  	_ =	shalt  }
0x57: {  	_ =	shalt  }
0x58: {  	_ =	shalt  }
0x59: {  	_ =	shalt  }
0x5a: {  	_ =	shalt  }
0x5b: {  	_ =	shalt  }
0x5c: {  	_ =	shalt  }
0x5d: {  	_ =	shalt  }
0x5e: {  	_ =	shalt  }
0x5f: {  	_ =	shalt  }
0x60: {  	_ =	shalt  }
0x61: {  	_ =	shalt  }
0x62: {  	_ =	shalt  }
0x63: {  	_ =	shalt  }
0x64: {  	_ =	shalt  }
0x65: {  	_ =	shalt  }
0x66: {  	_ =	shalt  }
0x67: {  	_ =	shalt  }
0x68: {  	_ =	shalt  }
0x69: {  	_ =	shalt  }
0x6a: {  	_ =	shalt  }
0x6b: {  	_ =	shalt  }
0x6c: {  	_ =	shalt  }
0x6d: {  	_ =	shalt  }
0x6e: {  	_ =	shalt  }
0x6f: {  	_ =	shalt  }
0x70: {  	_ =	shalt  }
0x71: {  	_ =	shalt  }
0x72: {  	_ =	shalt  }
0x73: {  	_ =	shalt  }
0x74: {  	_ =	shalt  }
0x75: {  	_ =	shalt  }
0x76: {  	_ =	shalt  }
0x77: {  	_ =	shalt  }
0x78: {  	_ =	shalt  }
0x79: {  	_ =	shalt  }
0x7a: {  	_ =	shalt  }
0x7b: {  	_ =	shalt  }
0x7c: {  	_ =	shalt  }
0x7d: {  	_ =	shalt  }
0x7e: {  	_ =	shalt  }
0x7f: {  	_ =	shalt  }
0x80: {  	_ =	shalt  }
0x81: {  	_ =	shalt  }
0x82: {  	_ =	shalt  }
0x83: {  	_ =	shalt  }
0x84: {  	_ =	shalt  }
0x85: {  	_ =	shalt  }
0x86: {  	_ =	shalt  }
0x87: {  	_ =	shalt  }
.Lfunc_end0:
.L_simem_size_0:
called_computation.2_lowered:
.L_overlay_start_0:
0x88: {  	s2 =	sld [smem:$0x3FD9]  }
0x89: {  	s3 =	sld [smem:$0x3FFE];
	_ =	sdelay $0x1  }
0x8a: {  	s1 =	srdreg.scid  }
0x8b: {  	s0 =	sand.u32 $0x1, s1  }
0x8c: {  	s16 =	sshll.u32 s0, $0xA;
	s2 =	sadd.s32 s3, s2  }
0x8d: {  	s2 =	sadd.s32 s2, s16  }
0x8e: {  	[smem:$0x3FB5] =	sst s2  }
0x8f: {  	_ = 	snop  }
0x90: {  	(tm) =	ssettm $0x1  }
0x91: {  	s17 =	sld [smem:$0x3FFB];
	_ =	sdelay $0x3  }
0x92: {  	_ =	strace s17  }
0x93: {  	s2 =	sld [smem:$0x3FFC];
	_ =	sdelay $0x3  }
0x94: {  	_ =	strace s2  }
0x95: {  	s2 =	sld [smem:$0x3FFD];
	_ =	sdelay $0x3  }
0x96: {  	_ =	strace s2  }
0x97: {  	_ =	strace $0x8FFFFFFF  }
0x98: {  	s18 =	sld [smem:$0x3FDB];
	_ =	sdelay $0x1  }
0x99: {  	s19 =	simm.s32 $_scs_section_size  }
0x9a: {  	s4 =	simm.s32 $_size__tile_overlayer_lowered;
	s5 =	simm.s32 $_tile_overlayer_lowered  }
0x9b: {  	s22 =	simm.s32 $0x1BFF;
	s21 =	sshll.u32 s5, $0x1;
	s2 =	sadd.s32 s19, s18  }
0x9c: {  	s6 =	simm.s32 $0x0;
	s20 =	sshll.u32 s4, $0x1;
	s4 =	sadd.s32 s21, s2  }
0x9d: {  	[timem:s6], [sflag:s22] =	dma.local [hbm:s4], s20  }
0x9e: {  	_ =	swait.ge [sflag:s22], s20  }
0x9f: {  	s3 =	ssub.s32 $0x0, s20;
	[sflag:s22] =	ssyncset.done $0x0  }
0xa0: {  	[sflag:s22] =	ssyncadd.s32 s3;
	_ =	sdelay $0x1  }
0xa1: {  	s23 =	simm.s32 $0x1B8B  }
0xa2: {  	_ =	swait.ge [sflag:s23], $0x1  }
0xa3: {  	[sflag:s23] =	ssyncset.done $0x0  }
0xa4: {  	s25 =	simm.s32 $0x1B8E;
	s24 =	sld [smem:$0x3FFE];
	[sflag:s23] =	ssyncadd.s32 $0xFFFFFFFF  }
0xa5: {  	s26 =	simm.s32 $execute0_lowered;
	[smem:$0x3FD2] =	sst s25  }
0xa6: {  	s4 =	sshll.u32 s26, $0x1;
	_ =	strace $0x8000004C;
	[dreg:$0x1] =	wrdreg $0xFFFFFFFF  }
0xa7: {  	s28 =	simm.s32 $_size_execute0_lowered;
	s2 =	sadd.s32 s2, s4;
	[dreg:$0x0] =	wrdreg $0x0  }
0xa8: {  	s4 =	sshll.u32 s28, $0x1;
	[dreg:$0x2] =	wrdreg s2  }
0xa9: {  	[dreg:$0x3] =	wrdreg s4  }
0xaa: {  	[dreg:$0x4] =	wrdreg $0xC0  }
0xab: {  	_ =	task [dreg:s6], $0x5FFFF  }
0xac: {  	[dreg:$0x1] =	wrdreg $0xFFFFFFFF  }
0xad: {  	[dreg:$0x0] =	wrdreg $0x60  }
0xae: {  	[dreg:$0x2] =	wrdreg s24  }
0xaf: {  	[dreg:$0x3] =	wrdreg $0x9  }
0xb0: {  	_ =	task.clear_ibuf [dreg:s6], $0x4FFFF;
	_ =	strace $0x9000004C  }
0xb1: {  	s29 =	simm.s32 $0x9;
	_ =	strace $0x8000004E  }
0xb2: {  	_ =	swait.ge [sflag:s29], $0x1  }
0xb3: {  	[sflag:s29] =	ssyncadd.s32 $0xFFFFFFFF  }
0xb4: {  	_ =	strace $0x9000004E  }
0xb5: {  	_ =	sfence  }
0xb6: {  	s30 =	sld [smem:$0x0];
	_ =	sdelay $0x2  }
0xb7: {  	s31 =	sshll.u32 s1, $0xD;
	s1 =	sshrl.u32 s1, $0x2  }
0xb8: {  	s3 =	sand.u32 $0x4000, s31;
	s1 =	sadd.s32 s1, s30  }
0xb9: {  	s0 =	sor.u32 s3, s0;
	s1 =	sshll.u32 s1, $0x11  }
0xba: {  	s0 =	sor.u32 s1, s0  }
0xbb: {  	s0 =	sadd.s32 $0x8F2B, s0  }
0xbc: {  	[sflag:s0] =	ssyncadd.remote.s32 $0x1  }
0xbd: {  	_ =	sfence.sel $0xFFFF  }
0xbe: {  	[dreg:$0x0] =	wrdreg $0xFFFFFFFF;
	(pc) =	sbr.abs _section_cstart, $3  }
0xbf: {  	[dreg:$0x1] =	wrdreg $0xFFFFFFFF  }
0xc0: {  	_ =	task.clear_ibuf [dreg:s6], $0x2FFFF;
	_ =	strace $0x9FFFFFFF  }
0xc1: {  	(tm) =	ssettm $0x7FFFFFFF  }
tec
execute0_lowered:
.L_overlay_start_1:
0x0: {  	(tag) =	ssettag $0x1  }
0x1: {  	s5 =	rddreg [dreg:$0x0]  }
0x2: {  	s0 =	rddreg [dreg:$0x1]  }
0x3: {  	s3 =	srdreg.scid;
	s1 =	stileid.u32;
	s2 =	simm.s32 $0x0  }
0x4: {  	s12 =	simm.s32 $0x80;
	s13 =	simm.s32 $0x5000;
	s14 =	simm.s32 $0x9000  }
0x5: {  	s15 =	simm.s32 $0x0;
	s6 =	sand.u32 $0x1, s3;
	s26 =	sshll.u32 s1, $0x1  }
0x6: {  	[smem:$0x7FF] =	sst s2;
	s8 =	smul.u32 $0x4F000, s1;
	s4 =	sadd.s32 $0x40000, s5  }
0x7: {  	s3 =	sor.u32 s6, s26;
	s9 =	ssub.s32 $0x2, s6;
	s11 =	smul.u32 $0x27800, s6  }
0x8: {  	_ =	strace $0x8000004D;
	s7 =	smul.u32 $0x500, s3;
	s10 =	sshrl.u32 s9, $0x1  }
0x9: {  	s3 =	sadd.s32 $0x18800, s5;
	s29 =	sadd.s32 s8, s5;
	s30 =	ssub.s32 s9, s10  }
0xa: {  	s31 =	sadd.s32 s11, s29;
	s10 =	simm.s32 $0x1;
	s11 =	simm.s32 $0x2800  }
0xb: {  	s28 =	sadd.s32 s7, s5;
	s7 =	smax.u32 s30, $0x1;
	s8 =	sadd.s32 $0x67800, s31  }
0xc: {  	s9 =	sadd.s32 $0x557800, s31;
	s5 =	sadd.s32 $0x4800, s28;
	s6 =	sadd.s32 $0xE800, s28  }
.LBB2_1:
0xd: {  	[tilespmem:s2], [sflag:$0x1] =	stream.linear.gather [hbm4b:s5+s2], $0x2780, $0x38;
	[tilespmem:$0xD000] =	vst v63  }
0xe: {  	_ =	swait.ge [sflag:s10], $0x2780  }
0xf: {  	[sflag:s10] =	ssyncset.done $0x0  }
0x10: {  	[sflag:s10] =	ssyncadd.s32 $0xFFFFD880  }
0x11: {  	[tilespmem:s11], [sflag:$0x1] =	stream.linear.gather [hbm4b:s6+s2], $0x2780, $0x38;
	[tilespmem:$0xD000] =	vst v63  }
0x12: {  	_ =	swait.ge [sflag:s10], $0x2780  }
0x13: {  	[sflag:s10] =	ssyncset.done $0x0  }
0x14: {  	s16 =	simm.s32 $0x0;
	[sflag:s10] =	ssyncadd.s32 $0xFFFFD880  }
0x15: {  	[tilespmem:s13], [sflag:$0x1] =	stream.indirect.gather [hbm4b:s3+s12], $0x80, s16, s12, $0xb8;
	[tilespmem:$0xD000] =	vst v63  }
0x16: {  	_ =	swait.ge [sflag:s10], $0x4000  }
0x17: {  	[sflag:s10] =	ssyncset.done $0x0  }
0x18: {  	[sflag:s10] =	ssyncadd.s32 $0xFFFFC000  }
0x19: {  	[hbm4b:s8+s2] =	stream.linear.scatter [tilespmem:s13], [sflag:$0x1], $0x4000, $0x38;
	[tilespmem:$0xD000] =	vst v63  }
0x1a: {  	_ =	swait.ge [sflag:s10], $0x4000  }
0x1b: {  	[sflag:s10] =	ssyncset.done $0x0  }
0x1c: {  	s31 =	simm.s32 $0x2800;
	[sflag:s10] =	ssyncadd.s32 $0xFFFFC000  }
0x1d: {  	[tilespmem:s14], [sflag:$0x1] =	stream.indirect.gather [hbm4b:s4+s12], $0x80, s31, s12, $0xb8;
	[tilespmem:$0xD000] =	vst v63  }
0x1e: {  	_ =	swait.ge [sflag:s10], $0x4000  }
0x1f: {  	[sflag:s10] =	ssyncset.done $0x0  }
0x20: {  	[sflag:s10] =	ssyncadd.s32 $0xFFFFC000  }
0x21: {  	[hbm4b:s9+s2] =	stream.linear.scatter [tilespmem:s14], [sflag:$0x1], $0x4000, $0x38;
	[tilespmem:$0xD000] =	vst v63  }
0x22: {  	s18 =	simm.s32 $0x200;
	s19 =	simm.s32 $0x400;
	_ =	swait.ge [sflag:s10], $0x4000  }
0x23: {  	s17 =	sadd.s32 $0x800, s8;
	s16 =	sadd.s32 $0x800, s9;
	[sflag:s10] =	ssyncset.done $0x0  }
.LBB2_2:
0x24: {  	s20 =	sshra.s32 s18, $0x2  }
0x25: {  	[sflag:s10] =	ssyncadd.s32 $0xFFFFC000;
	s18 =	smov.u32 s19;
	s21 =	sadd.s32 $0x200, s19  }
0x26: {  	[tilespmem:s13], [sflag:$0x1] =	stream.indirect.gather [hbm4b:s3+s12], $0x80, s20, s12, $0xb8;
	[tilespmem:$0xD000] =	vst v63  }
0x27: {  	p0 =	sne.s32 s19, $0x9C00;
	_ =	swait.ge [sflag:s10], $0x4000  }
0x28: {  	[sflag:s10] =	ssyncset.done $0x0  }
0x29: {  	[sflag:s10] =	ssyncadd.s32 $0xFFFFC000  }
0x2a: {  	[hbm4b:s17+s2] =	stream.linear.scatter [tilespmem:s13], [sflag:$0x1], $0x4000, $0x38;
	[tilespmem:$0xD000] =	vst v63  }
0x2b: {  	_ =	swait.ge [sflag:s10], $0x4000  }
0x2c: {  	[sflag:s10] =	ssyncset.done $0x0  }
0x2d: {  	s19 =	sadd.s32 $0x2800, s20;
	[sflag:s10] =	ssyncadd.s32 $0xFFFFC000  }
0x2e: {  	[tilespmem:s14], [sflag:$0x1] =	stream.indirect.gather [hbm4b:s4+s12], $0x80, s19, s12, $0xb8;
	[tilespmem:$0xD000] =	vst v63  }
0x2f: {  	_ =	swait.ge [sflag:s10], $0x4000  }
.Ltmp0:
0x30: {  	[sflag:s10] =	ssyncset.done $0x0;
	(pc) =	sbr.rel @p0 .LBB2_2-.Ltmp0, $4  }
0x31: {  	[sflag:s10] =	ssyncadd.s32 $0xFFFFC000  }
0x32: {  	[hbm4b:s16+s2] =	stream.linear.scatter [tilespmem:s14], [sflag:$0x1], $0x4000, $0x38;
	[tilespmem:$0xD000] =	vst v63  }
0x33: {  	s17 =	sadd.s32 $0x800, s17;
	_ =	swait.ge [sflag:s10], $0x4000  }
0x34: {  	s19 =	smov.u32 s21;
	s16 =	sadd.s32 $0x800, s16;
	[sflag:s10] =	ssyncset.done $0x0  }
0x35: {  	s18 =	sshra.s32 s18, $0x2;
	[sflag:s10] =	ssyncadd.s32 $0xFFFFC000  }
0x36: {  	[tilespmem:s13], [sflag:$0x1] =	stream.indirect.gather [hbm4b:s3+s12], $0x80, s18, s12, $0xb8;
	[tilespmem:$0xD000] =	vst v63  }
0x37: {  	_ =	swait.ge [sflag:s10], $0x4000  }
0x38: {  	[sflag:s10] =	ssyncset.done $0x0  }
0x39: {  	[sflag:s10] =	ssyncadd.s32 $0xFFFFC000  }
0x3a: {  	[hbm4b:s17+s2] =	stream.linear.scatter [tilespmem:s13], [sflag:$0x1], $0x4000, $0x38;
	[tilespmem:$0xD000] =	vst v63  }
0x3b: {  	_ =	swait.ge [sflag:s10], $0x4000  }
0x3c: {  	[sflag:s10] =	ssyncset.done $0x0  }
0x3d: {  	s31 =	sadd.s32 $0x2800, s18;
	[sflag:s10] =	ssyncadd.s32 $0xFFFFC000  }
0x3e: {  	[tilespmem:s14], [sflag:$0x1] =	stream.indirect.gather [hbm4b:s4+s12], $0x80, s31, s12, $0xb8;
	[tilespmem:$0xD000] =	vst v63  }
0x3f: {  	s15 =	sadd.s32 $0x1, s15;
	_ =	swait.ge [sflag:s10], $0x4000  }
0x40: {  	p0 =	sne.s32 s15, s7;
	[sflag:s10] =	ssyncset.done $0x0  }
.Ltmp1:
0x41: {  	[sflag:s10] =	ssyncadd.s32 $0xFFFFC000;
	(pc) =	sbr.rel @p0 .LBB2_1-.Ltmp1, $4  }
0x42: {  	[hbm4b:s16+s2] =	stream.linear.scatter [tilespmem:s14], [sflag:$0x1], $0x4000, $0x38;
	[tilespmem:$0xD000] =	vst v63  }
0x43: {  	_ =	swait.ge [sflag:s10], $0x4000  }
0x44: {  	[sflag:s10] =	ssyncset.done $0x0  }
0x45: {  	[sflag:s10] =	ssyncadd.s32 $0xFFFFC000  }
0x46: {  	_ =	sfence.sel $0x180000  }
0x47: {  	[bflag:$0x0] =	sbarrier.arrive $0xFFFF  }
0x48: {  	p0 =	sne.s32 s1, $0x0;
	_ =	strace $0x9000004D  }
0x49: {  	s0 =	sadd.s32 @!p0 $0x100000, s0;
	[bflag:$0x2] =	sbarrier.arrive $0xFFFF  }
0x4a: {  	[sflag:s0] =	ssyncadd.tile.s32 @!p0 $0x1;
	_ =	shalt  }
.Lfunc_end2:
_tile_overlayer_lowered:
.L_overlay_start_2:
0x4b: {  	(tag) =	ssettag $0x2  }
0x4c: {  	s0 =	rddreg [dreg:$0x0];
	s2 =	stileid.u32  }
0x4d: {  	s1 =	rddreg [dreg:$0x1];
	p0 =	sne.s32 s2, $0x0  }
0x4e: {  	s3 =	rddreg [dreg:$0x2];
	[bflag:$0x3] =	sbarrier.arrive $0xFFFF;
	s2 =	simm.s32 @!p0 $0x1C01  }
0x4f: {  	[timem:s3], [sflag:s2] =	dma.local @!p0 [hbm:s0], s1  }
0x50: {  	s0 =	simm.s32 @!p0 $0x1  }
0x51: {  	_ =	swait.ge @!p0 [sflag:s0], s1  }
0x52: {  	s1 =	ssub.s32 @!p0 $0x0, s1;
	[sflag:s0] =	ssyncset.done @!p0 $0x0  }
0x53: {  	[sflag:s0] =	ssyncadd.s32 @!p0 s1  }
0x54: {  	[bflag:$0x3] =	sbarrier.arrive $0xFFFF  }
0x55: {  	_ =	shalt  }

// kernel: kernel.9.cloned.1.call-start
scs
__scs_entry_jumppad:
0x0: {  	(pc) =	sbr.rel $0x88, $3  }
0x1: {  	(tag) =	ssettag $0x0;
	lr =	simm.s32 $0x1  }
0x2: {  	[smem:$0x3F8E] =	sst lr;
	_ =	strace $0xD0000000  }
0x3: {  	_ = 	snop  }
0x4: {  	_ = 	snop  }
0x5: {  	_ = 	snop  }
0x6: {  	_ = 	snop  }
0x7: {  	_ = 	snop  }
__scs_overlays_trampoline_lowered:
0x8: {  	[smem:$0x3F9D] =	sst s0  }
0x9: {  	[smem:$0x3F9E] =	sst s1  }
0xa: {  	[smem:$0x3F9F] =	sst s2  }
0xb: {  	[smem:$0x3FA0] =	sst s3  }
0xc: {  	[smem:$0x3FA1] =	sst s4  }
0xd: {  	[smem:$0x3FA2] =	sst s5  }
0xe: {  	[smem:$0x3FA3] =	sst s6  }
0xf: {  	[smem:$0x3FA4] =	sst s7  }
0x10: {  	[smem:$0x3FA5] =	sst s8  }
0x11: {  	[smem:$0x3FA6] =	sst s9;
	s0 =	simm.s32 @!p0 $0x0  }
0x12: {  	s1 =	sld [smem:$0x3F8C];
	s0 =	simm.s32 @p0 $0x1  }
0x13: {  	[smem:$0x3FA7] =	sst s0;
	s0 =	simm.s32 @!p1 $0x0  }
0x14: {  	s2 =	sld [smem:$0x3F8B];
	s0 =	simm.s32 @p1 $0x1  }
0x15: {  	[smem:$0x3FA8] =	sst s0;
	s0 =	simm.s32 @!p2 $0x0  }
0x16: {  	s3 =	sld [smem:$0x3FDB];
	s0 =	simm.s32 @p2 $0x1  }
0x17: {  	s4 =	simm.s32 $0x1BF5;
	[smem:$0x3FAA] =	sst s0  }
0x18: {  	s0 =	sld [smem:$0x3F8D];
	_ =	swait.ge [sflag:s4], $0x0  }
0x19: {  	s7 =	sld [smem:$0x3F8E]  }
0x1a: {  	s8 =	sadd.s32 $0xFFFFE003, lr  }
0x1b: {  	s9 =	sadd.s32 $0xFFFFFEF7, lr;
	s5 =	simm.s32 $0xFFFFFFFF;
	p2 =	slt.u32 s8, $0xFFFFF086  }
0x1c: {  	p1 =	slt.u32 s9, $0xF7A;
	s5 =	simm.s32 @!p2 $0x0  }
0x1d: {  	s5 =	simm.s32 @p1 $0x1;
	p0 =	seq.s32 s7, s2  }
0x1e: {  	s7 =	smul.u32 @!p0 $0xF7A, s2;
	p2 =	seq.s32 @!p0 s5, $0x0  }
0x1f: {  	s9 =	smul.u32 $0xF7A, s1;
	s8 =	simm.s32 @!p0 $0x1BF5;
	p2 =	por !p2, p0  }
0x20: {  	[sflag:s8] =	ssyncset.s32 @!p0 $0xFFFFF086;
	s6 =	sadd.s32 @!p0 s3, s7;
	s7 =	simm.s32 @!p0 $0x108  }
0x21: {  	s3 =	sadd.s32 s3, s9;
	s6 =	sadd.s32 @!p0 $0x88, s6;
	s7 =	simm.s32 @p2 $0x1082  }
0x22: {  	[simem:s7], [sflag:s8] =	dma.local @!p0 [hbm:s6], $0xF7A  }
0x23: {  	s9 =	sor.u32 $0xD0000000, s2;
	s6 =	simm.s32 $0x108;
	_ =	swait.ge @!p0 [sflag:s8], $0x0  }
0x24: {  	s3 =	sadd.s32 $0x88, s3;
	s6 =	simm.s32 @!p1 $0x1082;
	[sflag:s4] =	ssyncset.s32 $0xFFFFF086  }
0x25: {  	[simem:s6], [sflag:s4] =	dma.local [hbm:s3], $0xF7A  }
0x26: {  	[smem:$0x3F8E] =	sst s1;
	(tag) =	ssettag s2;
	_ =	strace s9  }
0x27: {  	s1 =	sld [smem:$0x3F9E]  }
0x28: {  	s2 =	sld [smem:$0x3F9F]  }
0x29: {  	s4 =	sld [smem:$0x3FA1]  }
0x2a: {  	p0 =	seq.s32 s5, $0x0;
	s5 =	sld [smem:$0x3FA2]  }
0x2b: {  	s6 =	sld [smem:$0x3FA3]  }
0x2c: {  	s7 =	sld [smem:$0x3FA4]  }
0x2d: {  	s3 =	simm.s32 $0x108;
	s8 =	sld [smem:$0x3FA5]  }
0x2e: {  	s3 =	simm.s32 @!p0 $0x1082;
	s9 =	sld [smem:$0x3FA6]  }
0x2f: {  	lr =	sadd.s32 s0, s3;
	s0 =	sld [smem:$0x3F9D]  }
0x30: {  	s3 =	sld [smem:$0x3FA0]  }
0x31: {  	[smem:$0x3FA9] =	sst s10  }
0x32: {  	s10 =	sld [smem:$0x3FA7];
	_ =	sdelay $0x3  }
0x33: {  	p0 =	seq.s32 s10, $0x1;
	s10 =	sld [smem:$0x3FA9];
	_ =	sdelay $0x3  }
0x34: {  	[smem:$0x3FA9] =	sst s10  }
0x35: {  	s10 =	sld [smem:$0x3FA8];
	_ =	sdelay $0x3  }
0x36: {  	p1 =	seq.s32 s10, $0x1;
	s10 =	sld [smem:$0x3FA9];
	_ =	sdelay $0x3  }
0x37: {  	[smem:$0x3FA9] =	sst s10  }
0x38: {  	s10 =	sld [smem:$0x3FAA]  }
0x39: {  	_ = 	snop;
	(pc) =	sbr.ind lr, $3  }
0x3a: {  	_ = 	snop  }
0x3b: {  	_ = 	snop  }
0x3c: {  	p2 =	seq.s32 s10, $0x1;
	s10 =	sld [smem:$0x3FA9]  }
0x3d: {  	_ =	shalt  }
0x3e: {  	_ =	shalt  }
0x3f: {  	_ =	shalt  }
0x40: {  	_ =	shalt  }
0x41: {  	_ =	shalt  }
0x42: {  	_ =	shalt  }
0x43: {  	_ =	shalt  }
0x44: {  	_ =	shalt  }
0x45: {  	_ =	shalt  }
0x46: {  	_ =	shalt  }
0x47: {  	_ =	shalt  }
0x48: {  	_ =	shalt  }
0x49: {  	_ =	shalt  }
0x4a: {  	_ =	shalt  }
0x4b: {  	_ =	shalt  }
0x4c: {  	_ =	shalt  }
0x4d: {  	_ =	shalt  }
0x4e: {  	_ =	shalt  }
0x4f: {  	_ =	shalt  }
0x50: {  	_ =	shalt  }
0x51: {  	_ =	shalt  }
0x52: {  	_ =	shalt  }
0x53: {  	_ =	shalt  }
0x54: {  	_ =	shalt  }
0x55: {  	_ =	shalt  }
0x56: {  	_ =	shalt  }
0x57: {  	_ =	shalt  }
0x58: {  	_ =	shalt  }
0x59: {  	_ =	shalt  }
0x5a: {  	_ =	shalt  }
0x5b: {  	_ =	shalt  }
0x5c: {  	_ =	shalt  }
0x5d: {  	_ =	shalt  }
0x5e: {  	_ =	shalt  }
0x5f: {  	_ =	shalt  }
0x60: {  	_ =	shalt  }
0x61: {  	_ =	shalt  }
0x62: {  	_ =	shalt  }
0x63: {  	_ =	shalt  }
0x64: {  	_ =	shalt  }
0x65: {  	_ =	shalt  }
0x66: {  	_ =	shalt  }
0x67: {  	_ =	shalt  }
0x68: {  	_ =	shalt  }
0x69: {  	_ =	shalt  }
0x6a: {  	_ =	shalt  }
0x6b: {  	_ =	shalt  }
0x6c: {  	_ =	shalt  }
0x6d: {  	_ =	shalt  }
0x6e: {  	_ =	shalt  }
0x6f: {  	_ =	shalt  }
0x70: {  	_ =	shalt  }
0x71: {  	_ =	shalt  }
0x72: {  	_ =	shalt  }
0x73: {  	_ =	shalt  }
0x74: {  	_ =	shalt  }
0x75: {  	_ =	shalt  }
0x76: {  	_ =	shalt  }
0x77: {  	_ =	shalt  }
0x78: {  	_ =	shalt  }
0x79: {  	_ =	shalt  }
0x7a: {  	_ =	shalt  }
0x7b: {  	_ =	shalt  }
0x7c: {  	_ =	shalt  }
0x7d: {  	_ =	shalt  }
0x7e: {  	_ =	shalt  }
0x7f: {  	_ =	shalt  }
0x80: {  	_ =	shalt  }
0x81: {  	_ =	shalt  }
0x82: {  	_ =	shalt  }
0x83: {  	_ =	shalt  }
0x84: {  	_ =	shalt  }
0x85: {  	_ =	shalt  }
0x86: {  	_ =	shalt  }
0x87: {  	_ =	shalt  }
.Lfunc_end0:
.L_simem_size_0:
called_computation_lowered:
.L_overlay_start_0:
0x88: {  	s2 =	sld [smem:$0x3FD9]  }
0x89: {  	s3 =	sld [smem:$0x3FFE];
	_ =	sdelay $0x1  }
0x8a: {  	s1 =	srdreg.scid  }
0x8b: {  	s0 =	sand.u32 $0x1, s1  }
0x8c: {  	s17 =	sshll.u32 s0, $0xA;
	s2 =	sadd.s32 s3, s2  }
0x8d: {  	s2 =	sadd.s32 s2, s17  }
0x8e: {  	[smem:$0x3FB5] =	sst s2  }
0x8f: {  	_ = 	snop  }
0x90: {  	s2 =	sld [smem:$0x3FD0];
	(tm) =	ssettm $0x1  }
0x91: {  	s18 =	sld [smem:$0x3FFB];
	_ =	sdelay $0x3  }
0x92: {  	_ =	strace s18  }
0x93: {  	s3 =	sld [smem:$0x3FFC];
	_ =	sdelay $0x3  }
0x94: {  	_ =	strace s3  }
0x95: {  	s3 =	sld [smem:$0x3FFD];
	_ =	sdelay $0x3  }
0x96: {  	_ =	strace s3  }
0x97: {  	_ =	strace $0x8FFFFFFF  }
0x98: {  	s19 =	sld [smem:$0x3FDB];
	_ =	sdelay $0x1  }
0x99: {  	s4 =	simm.s32 $_scs_section_size  }
0x9a: {  	s5 =	simm.s32 $_size__tile_overlayer_lowered;
	s6 =	simm.s32 $_tile_overlayer_lowered  }
0x9b: {  	s22 =	simm.s32 $0x1BFF;
	s21 =	sshll.u32 s6, $0x1;
	s3 =	sadd.s32 s4, s19  }
0x9c: {  	s7 =	simm.s32 $0x0;
	s20 =	sshll.u32 s5, $0x1;
	s5 =	sadd.s32 s21, s3  }
0x9d: {  	[timem:s7], [sflag:s22] =	dma.local [hbm:s5], s20  }
0x9e: {  	_ =	swait.ge [sflag:s22], s20  }
0x9f: {  	s4 =	ssub.s32 $0x0, s20;
	[sflag:s22] =	ssyncset.done $0x0  }
0xa0: {  	[sflag:s22] =	ssyncadd.s32 s4;
	_ =	sdelay $0x1  }
0xa1: {  	s23 =	simm.s32 $0x1B8B  }
0xa2: {  	_ =	swait.ge [sflag:s23], $0x1  }
0xa3: {  	[sflag:s23] =	ssyncset.done $0x0  }
0xa4: {  	s25 =	simm.s32 $0x1B8E;
	s24 =	sld [smem:$0x3FFE];
	[sflag:s23] =	ssyncadd.s32 $0xFFFFFFFF  }
0xa5: {  	s26 =	simm.s32 $execute0_lowered;
	[smem:$0x3FD2] =	sst s25  }
0xa6: {  	s5 =	sshll.u32 s26, $0x1;
	_ =	strace $0x80000046;
	[dreg:$0x1] =	wrdreg $0xFFFFFFFF  }
0xa7: {  	s28 =	simm.s32 $_size_execute0_lowered;
	s3 =	sadd.s32 s3, s5;
	[dreg:$0x0] =	wrdreg $0x0  }
0xa8: {  	s5 =	sshll.u32 s28, $0x1;
	[dreg:$0x2] =	wrdreg s3  }
0xa9: {  	[dreg:$0x3] =	wrdreg s5  }
0xaa: {  	[dreg:$0x4] =	wrdreg $0xC0  }
0xab: {  	_ =	task [dreg:s7], $0x5FFFF  }
0xac: {  	[dreg:$0x1] =	wrdreg $0xFFFFFFFF  }
0xad: {  	[dreg:$0x0] =	wrdreg $0x60  }
0xae: {  	[dreg:$0x2] =	wrdreg s24  }
0xaf: {  	[dreg:$0x3] =	wrdreg s2  }
0xb0: {  	[dreg:$0x4] =	wrdreg $0x90000  }
0xb1: {  	[dreg:$0x5] =	wrdreg $0x9  }
0xb2: {  	_ =	task.clear_ibuf [dreg:s7], $0x6FFFF;
	_ =	strace $0x90000046  }
0xb3: {  	s29 =	simm.s32 $0x9;
	_ =	strace $0x80000048  }
0xb4: {  	_ =	swait.ge [sflag:s29], $0x1  }
0xb5: {  	[sflag:s29] =	ssyncadd.s32 $0xFFFFFFFF  }
0xb6: {  	_ =	strace $0x90000048  }
0xb7: {  	_ =	sfence  }
0xb8: {  	s30 =	sld [smem:$0x0];
	_ =	sdelay $0x2  }
0xb9: {  	s31 =	sshll.u32 s1, $0xD;
	s1 =	sshrl.u32 s1, $0x2  }
0xba: {  	s3 =	sand.u32 $0x4000, s31;
	s1 =	sadd.s32 s1, s30  }
0xbb: {  	s0 =	sor.u32 s3, s0;
	s1 =	sshll.u32 s1, $0x11  }
0xbc: {  	s0 =	sor.u32 s1, s0  }
0xbd: {  	s0 =	sadd.s32 $0x8F2B, s0  }
0xbe: {  	[sflag:s0] =	ssyncadd.remote.s32 $0x1  }
0xbf: {  	_ =	sfence.sel $0xFFFF  }
0xc0: {  	[dreg:$0x0] =	wrdreg $0xFFFFFFFF;
	(pc) =	sbr.abs _section_cstart, $3  }
0xc1: {  	[dreg:$0x1] =	wrdreg $0xFFFFFFFF  }
0xc2: {  	_ =	task.clear_ibuf [dreg:s7], $0x2FFFF;
	_ =	strace $0x9FFFFFFF  }
0xc3: {  	(tm) =	ssettm $0x7FFFFFFF  }
tec
execute0_lowered:
.L_overlay_start_1:
0x0: {  	(tag) =	ssettag $0x1  }
0x1: {  	s1 =	srdreg.scid;
	s7 =	rddreg [dreg:$0x0]  }
0x2: {  	s0 =	stileid.u32;
	s2 =	rddreg [dreg:$0x1]  }
0x3: {  	s3 =	rddreg [dreg:$0x2];
	s4 =	simm.s32 $0x0;
	s15 =	simm.s32 $0x2800  }
0x4: {  	s16 =	simm.s32 $0x80;
	s17 =	simm.s32 $0x5000;
	s18 =	simm.s32 $0x0  }
0x5: {  	s8 =	sand.u32 $0x1, s1;
	s26 =	sshll.u32 s0, $0x1;
	s10 =	smul.u32 $0x13C00, s0  }
0x6: {  	[smem:$0x7FF] =	sst s4;
	s5 =	sadd.s32 $0x18800, s7;
	s28 =	smul.u32 $0x4F000, s0  }
0x7: {  	s31 =	sshll.u32 s0, $0x6;
	s1 =	sor.u32 s8, s26;
	s9 =	smul.u32 $0x13C000, s8  }
0x8: {  	s8 =	ssub.s32 $0x2, s8;
	s6 =	smul.u32 $0x500, s1;
	s1 =	rddreg [dreg:$0x3]  }
0x9: {  	_ =	strace $0x80000047;
	s29 =	sshrl.u32 s8, $0x1;
	s30 =	sshrl.u32 s28, $0x2  }
0xa: {  	s9 =	sadd.s32 s10, s9;
	s13 =	ssub.s32 s8, s29;
	s14 =	sadd.s32 s30, s3  }
0xb: {  	s11 =	sadd.s32 s6, s7;
	s6 =	sadd.s32 $0x40000, s7;
	s9 =	sshrl.u32 s9, $0x3  }
0xc: {  	s12 =	sadd.s32 s9, s7;
	s7 =	sor.u32 $0x1C01, s31;
	s8 =	sadd.s32 $0x4800, s11  }
0xd: {  	s9 =	sadd.s32 $0xE800, s11;
	s10 =	sadd.s32 $0x40800, s12;
	s11 =	sadd.s32 $0x8F800, s12  }
0xe: {  	s12 =	smax.u32 s13, $0x1;
	s13 =	sshrl.u32 s14, $0x3;
	s14 =	simm.s32 $0x1  }
.LBB2_1:
0xf: {  	[spmem:s13], [sflag:s7] =	dma.local [hbm:s2], $0x2780  }
0x10: {  	_ =	swait.ge [sflag:s14], $0x2780  }
0x11: {  	[sflag:s14] =	ssyncset.done $0x0  }
0x12: {  	[sflag:s14] =	ssyncadd.s32 $0xFFFFD880  }
0x13: {  	[tilespmem:s4], [sflag:$0x1] =	stream.linear.gather [hbm4b:s8+s4], $0x2780, $0x38;
	[tilespmem:$0x1CC00] =	vst v63  }
0x14: {  	_ =	swait.ge [sflag:s14], $0x2780  }
0x15: {  	[sflag:s14] =	ssyncset.done $0x0  }
0x16: {  	[sflag:s14] =	ssyncadd.s32 $0xFFFFD880  }
0x17: {  	[tilespmem:s15], [sflag:$0x1] =	stream.linear.gather [hbm4b:s9+s4], $0x2780, $0x38;
	[tilespmem:$0x1CC00] =	vst v63  }
0x18: {  	_ =	swait.ge [sflag:s14], $0x2780  }
0x19: {  	[sflag:s14] =	ssyncset.done $0x0  }
0x1a: {  	[sflag:s14] =	ssyncadd.s32 $0xFFFFD880  }
0x1b: {  	s19 =	simm.s32 $0x0;
	[bflag:$0x0] =	sbarrier.arrive $0xFFFF  }
0x1c: {  	[tilespmem:s17], [sflag:$0x1] =	stream.indirect.gather [hbm4b:s5+s16], $0x80, s19, s16, $0xb8;
	[tilespmem:$0x1CC00] =	vst v63  }
0x1d: {  	_ =	swait.ge [sflag:s14], $0x4000  }
0x1e: {  	[sflag:s14] =	ssyncset.done $0x0  }
0x1f: {  	s31 =	simm.s32 $0x2800;
	[sflag:s14] =	ssyncadd.s32 $0xFFFFC000  }
0x20: {  	[spmem:s3] =	stream.indirect.scatter.add.f32 [tilespmem:s17], [sflag:$0x1], $0x80, s31, s16, $0xb8;
	[tilespmem:$0x1CC00] =	vst v63  }
0x21: {  	_ =	swait.ge [sflag:s14], $0x4000  }
0x22: {  	s20 =	simm.s32 $0x400;
	s19 =	simm.s32 $0x200;
	[sflag:s14] =	ssyncset.done $0x0  }
.LBB2_2:
0x23: {  	s21 =	sshra.s32 s19, $0x2  }
0x24: {  	[sflag:s14] =	ssyncadd.s32 $0xFFFFC000;
	s19 =	smov.u32 s20;
	s22 =	sadd.s32 $0x200, s20  }
0x25: {  	[tilespmem:s17], [sflag:$0x1] =	stream.indirect.gather [hbm4b:s5+s16], $0x80, s21, s16, $0xb8;
	[tilespmem:$0x1CC00] =	vst v63  }
0x26: {  	p0 =	sne.s32 s20, $0x9C00;
	_ =	swait.ge [sflag:s14], $0x4000  }
.Ltmp0:
0x27: {  	[sflag:s14] =	ssyncset.done $0x0;
	(pc) =	sbr.rel @p0 .LBB2_2-.Ltmp0, $4  }
0x28: {  	s20 =	sadd.s32 $0x2800, s21;
	[sflag:s14] =	ssyncadd.s32 $0xFFFFC000  }
0x29: {  	[spmem:s3] =	stream.indirect.scatter.add.f32 [tilespmem:s17], [sflag:$0x1], $0x80, s20, s16, $0xb8;
	[tilespmem:$0x1CC00] =	vst v63  }
0x2a: {  	_ =	swait.ge [sflag:s14], $0x4000  }
0x2b: {  	s20 =	smov.u32 s22;
	[sflag:s14] =	ssyncset.done $0x0  }
0x2c: {  	s19 =	sshra.s32 s19, $0x2;
	[sflag:s14] =	ssyncadd.s32 $0xFFFFC000  }
0x2d: {  	[tilespmem:s17], [sflag:$0x1] =	stream.indirect.gather [hbm4b:s5+s16], $0x80, s19, s16, $0xb8;
	[tilespmem:$0x1CC00] =	vst v63  }
0x2e: {  	_ =	swait.ge [sflag:s14], $0x4000  }
0x2f: {  	[sflag:s14] =	ssyncset.done $0x0  }
0x30: {  	s19 =	sadd.s32 $0x2800, s19;
	[sflag:s14] =	ssyncadd.s32 $0xFFFFC000  }
0x31: {  	[spmem:s3] =	stream.indirect.scatter.add.f32 [tilespmem:s17], [sflag:$0x1], $0x80, s19, s16, $0xb8;
	[tilespmem:$0x1CC00] =	vst v63  }
0x32: {  	_ =	swait.ge [sflag:s14], $0x4000  }
0x33: {  	[sflag:s14] =	ssyncset.done $0x0  }
0x34: {  	[sflag:s14] =	ssyncadd.s32 $0xFFFFC000  }
0x35: {  	[bflag:$0x0] =	sbarrier.arrive $0xFFFF  }
0x36: {  	[hbm:s10], [sflag:s7] =	dma.local [spmem:s13], $0x2780  }
0x37: {  	_ =	swait.ge [sflag:s14], $0x2780  }
0x38: {  	[sflag:s14] =	ssyncset.done $0x0  }
0x39: {  	[sflag:s14] =	ssyncadd.s32 $0xFFFFD880  }
0x3a: {  	[bflag:$0x0] =	sbarrier.arrive $0xFFFF  }
0x3b: {  	[spmem:s13], [sflag:s7] =	dma.local [hbm:s2], $0x2780  }
0x3c: {  	_ =	swait.ge [sflag:s14], $0x2780  }
0x3d: {  	[sflag:s14] =	ssyncset.done $0x0  }
0x3e: {  	s30 =	simm.s32 $0x0;
	[sflag:s14] =	ssyncadd.s32 $0xFFFFD880  }
0x3f: {  	[tilespmem:s17], [sflag:$0x1] =	stream.linear.gather [hbm4b:s6+s30], $0x4000, $0x38;
	[tilespmem:$0x1CC00] =	vst v63  }
0x40: {  	_ =	swait.ge [sflag:s14], $0x4000  }
0x41: {  	[sflag:s14] =	ssyncset.done $0x0  }
0x42: {  	[sflag:s14] =	ssyncadd.s32 $0xFFFFC000  }
0x43: {  	s31 =	simm.s32 $0x2800;
	[bflag:$0x0] =	sbarrier.arrive $0xFFFF  }
0x44: {  	[spmem:s3] =	stream.indirect.scatter.add.f32 [tilespmem:s17], [sflag:$0x1], $0x80, s31, s16, $0xb8;
	[tilespmem:$0x1CC00] =	vst v63  }
0x45: {  	s19 =	simm.s32 $0x200;
	_ =	swait.ge [sflag:s14], $0x4000  }
.LBB2_4:
0x46: {  	s20 =	sshra.s32 s19, $0x2;
	[sflag:s14] =	ssyncset.done $0x0;
	p0 =	sne.s32 s19, $0x9C00  }
.Ltmp1:
0x47: {  	s20 =	sadd.s32 $0x2800, s20;
	[sflag:s14] =	ssyncadd.s32 $0xFFFFC000;
	(pc) =	sbr.rel @p0 .LBB2_4-.Ltmp1, $3  }
0x48: {  	[spmem:s3] =	stream.indirect.scatter.add.f32 [tilespmem:s17], [sflag:$0x1], $0x80, s20, s16, $0xb8;
	[tilespmem:$0x1CC00] =	vst v63  }
0x49: {  	s19 =	sadd.s32 $0x200, s19;
	_ =	sdelay $0x1  }
0x4a: {  	_ =	swait.ge [sflag:s14], $0x4000  }
0x4b: {  	[sflag:s14] =	ssyncset.done $0x0;
	s18 =	sadd.s32 $0x1, s18  }
0x4c: {  	[sflag:s14] =	ssyncadd.s32 $0xFFFFC000;
	p0 =	sne.s32 s18, s12  }
.Ltmp2:
0x4d: {  	[bflag:$0x0] =	sbarrier.arrive $0xFFFF;
	(pc) =	sbr.rel @p0 .LBB2_1-.Ltmp2, $4  }
0x4e: {  	[hbm:s11], [sflag:s7] =	dma.local [spmem:s13], $0x2780  }
0x4f: {  	_ =	swait.ge [sflag:s14], $0x2780  }
0x50: {  	[sflag:s14] =	ssyncset.done $0x0  }
0x51: {  	[sflag:s14] =	ssyncadd.s32 $0xFFFFD880  }
0x52: {  	_ =	sfence.sel $0x180000  }
0x53: {  	[bflag:$0x0] =	sbarrier.arrive $0xFFFF  }
0x54: {  	p0 =	sne.s32 s0, $0x0;
	_ =	strace $0x90000047  }
0x55: {  	s0 =	sadd.s32 @!p0 $0x100000, s1;
	[bflag:$0x2] =	sbarrier.arrive $0xFFFF  }
0x56: {  	[sflag:s0] =	ssyncadd.tile.s32 @!p0 $0x1;
	_ =	shalt  }
.Lfunc_end2:
_tile_overlayer_lowered:
.L_overlay_start_2:
0x57: {  	(tag) =	ssettag $0x2  }
0x58: {  	s0 =	rddreg [dreg:$0x0];
	s2 =	stileid.u32  }
0x59: {  	s1 =	rddreg [dreg:$0x1];
	p0 =	sne.s32 s2, $0x0  }
0x5a: {  	s3 =	rddreg [dreg:$0x2];
	[bflag:$0x3] =	sbarrier.arrive $0xFFFF;
	s2 =	simm.s32 @!p0 $0x1C01  }
0x5b: {  	[timem:s3], [sflag:s2] =	dma.local @!p0 [hbm:s0], s1  }
0x5c: {  	s0 =	simm.s32 @!p0 $0x1  }
0x5d: {  	_ =	swait.ge @!p0 [sflag:s0], s1  }
0x5e: {  	s1 =	ssub.s32 @!p0 $0x0, s1;
	[sflag:s0] =	ssyncset.done @!p0 $0x0  }
0x5f: {  	[sflag:s0] =	ssyncadd.s32 @!p0 s1  }
0x60: {  	[bflag:$0x3] =	sbarrier.arrive $0xFFFF  }
0x61: {  	_ =	shalt  }

</sc_bundles>
